<compile_context>
chip_gen: v7x
topology: tpu7x:2x2x1
jax: 0.10.2.dev20260603
libtpu: 0.0.44.dev20260713+nightly
codegen_flags: <defaults>
</compile_context>

<pallas_src>
import functools

import jax
import jax.numpy as jnp
from jax import lax
from jax.experimental import pallas as pl
from jax.experimental.pallas import tpu as pltpu
from jax.experimental.pallas import tpu_sc as plsc

_EPS = 0.001

_N = 10000
_D = 128
_E = 320000
_NC = 2
_NS = 16
_NW = _NC * _NS
_EPW = _E // _NW
_C = 80
_NCH = _EPW // _C
_RPB = 640
_SPLIT = 2
_CS = _C // _SPLIT


def _make_agg():
  mesh = plsc.VectorSubcoreMesh(core_axis_name="c", subcore_axis_name="s")

  @functools.partial(
      pl.kernel,
      mesh=mesh,
      out_type=jax.ShapeDtypeStruct((_NC, _N, _D), jnp.float32),
      scratch_types=[
          pltpu.VMEM((_EPW,), jnp.int32),
          pltpu.VMEM((_NCH, _C), jnp.int32),
          pltpu.VMEM((_C, _D), jnp.float32),
          pltpu.VMEM((_C, _D), jnp.float32),
          pltpu.VMEM_SHARED((_N, _D), jnp.float32),
          pltpu.SemaphoreType.DMA,
          pltpu.SemaphoreType.DMA,
      ],
  )
  def agg(x_hbm, src_hbm, dst_hbm, out_hbm,
          srcv, dstv, rows_a, rows_b, agg_sh, sem_a, sem_b):
    cid = lax.axis_index("c")
    sid = lax.axis_index("s")
    wid = cid * _NS + sid

    ebase = pl.multiple_of(wid * _EPW, 8)
    pltpu.sync_copy(src_hbm.at[pl.ds(ebase, _EPW)], srcv)
    pltpu.sync_copy(dst_hbm.at[1, wid], dstv)

    def gather_start(j, buf, sem):
      for p in range(_SPLIT):
        pltpu.async_copy(
            x_hbm.at[srcv.at[pl.ds(pl.multiple_of(j * _C + p * _CS, 8), _CS)]],
            buf.at[pl.ds(p * _CS, _CS)], sem)

    def gather_wait(j, buf, sem):
      for p in range(_SPLIT):
        pltpu.make_async_copy(
            x_hbm.at[srcv.at[pl.ds(pl.multiple_of(j * _C + p * _CS, 8), _CS)]],
            buf.at[pl.ds(p * _CS, _CS)], sem).wait()

    gather_start(0, rows_a, sem_a)
    z = jnp.zeros((16,), jnp.float32)

    def zero_row(i, carry):
      for k in range(_D // 16):
        rows_b[i, pl.ds(k * 16, 16)] = z
      return carry

    lax.fori_loop(0, _C, zero_row, 0)
    zbase = pl.multiple_of(sid * _RPB, 8)

    @pl.when(sid < _NS - 1)
    def _():
      for t in range(_RPB // _C):
        pltpu.sync_copy(rows_b, agg_sh.at[pl.ds(zbase + t * _C, _C)])

    @pl.when(sid == _NS - 1)
    def _():
      for t in range((_N - 15 * _RPB) // _C):
        pltpu.sync_copy(rows_b, agg_sh.at[pl.ds(15 * _RPB + t * _C, _C)])

    plsc.subcore_barrier()


    def body(jj, carry):
      j0 = 2 * jj
      gather_start(j0 + 1, rows_b, sem_b)
      gather_wait(j0, rows_a, sem_a)
      pltpu.sync_copy(rows_a, agg_sh.at[dstv.at[j0]], add=True)
      gather_start(j0 + 2, rows_a, sem_a)
      gather_wait(j0 + 1, rows_b, sem_b)
      pltpu.sync_copy(rows_b, agg_sh.at[dstv.at[j0 + 1]], add=True)
      return carry

    lax.fori_loop(0, (_NCH - 1) // 2, body, 0)
    gather_wait(_NCH - 1, rows_a, sem_a)
    pltpu.sync_copy(rows_a, agg_sh.at[dstv.at[_NCH - 1]], add=True)

    plsc.subcore_barrier()

    @pl.when(sid < _NS - 1)
    def _():
      pltpu.sync_copy(agg_sh.at[pl.ds(zbase, _RPB)],
                      out_hbm.at[cid, pl.ds(zbase, _RPB)])

    @pl.when(sid == _NS - 1)
    def _():
      pltpu.sync_copy(agg_sh.at[pl.ds(15 * _RPB, _N - 15 * _RPB)],
                      out_hbm.at[cid, pl.ds(15 * _RPB, _N - 15 * _RPB)])

  return agg


_BM = 1000


def _mlp_body(x_ref, p0_ref, p1_ref, w1_ref, b1_ref, w2_ref, b2_ref, o_ref):
  h = (1.0 + _EPS) * x_ref[...] + p0_ref[0] + p1_ref[0]
  h = jnp.dot(h, w1_ref[...], preferred_element_type=jnp.float32) + b1_ref[...]
  h = jnp.maximum(h, 0.0)
  o_ref[...] = jnp.dot(h, w2_ref[...], preferred_element_type=jnp.float32) + b2_ref[...]


def _mlp(x, parts, W1, b1, W2, b2):
  return pl.pallas_call(
      _mlp_body,
      grid=(_N // _BM,),
      in_specs=[
          pl.BlockSpec((_BM, _D), lambda i: (i, 0)),
          pl.BlockSpec((1, _BM, _D), lambda i: (0, i, 0)),
          pl.BlockSpec((1, _BM, _D), lambda i: (1, i, 0)),
          pl.BlockSpec((_D, _D), lambda i: (0, 0)),
          pl.BlockSpec((1, _D), lambda i: (0, 0)),
          pl.BlockSpec((_D, _D), lambda i: (0, 0)),
          pl.BlockSpec((1, _D), lambda i: (0, 0)),
      ],
      out_specs=pl.BlockSpec((_BM, _D), lambda i: (i, 0)),
      out_shape=jax.ShapeDtypeStruct((_N, _D), jnp.float32),
  )(x, parts, parts, W1, b1.reshape(1, _D), W2, b2.reshape(1, _D))


def kernel(x, edge_index, W1, b1, W2, b2):
  ei = edge_index.astype(jnp.int32)
  src_flat = ei.reshape(2 * _E)
  dst_4d = ei.reshape(2, _NW, _NCH, _C)
  parts = _make_agg()(x, src_flat, dst_4d)
  return _mlp(x, parts, W1, b1, W2, b2)

# --- scband reference (transcript-rebuilt; emitter-appended) ---
"""Pipeline reference for scband-ginlayer-17635135718112 (READ-ONLY COPY).

The authoritative reference and input builder live on the scoring server;
editing this copy changes nothing except your own understanding.
"""

import jax, jax.numpy as jnp
import numpy as np

EPS = 0.001

def setup_inputs(seed: int = 0) -> dict:
    key = jax.random.key(seed)
    k1, k2, k3, k4, k5, k6 = jax.random.split(key, 6)
    N, D, E = 10000, 128, 320000
    x = jax.random.normal(k1, (N, D), dtype=jnp.float32)
    edge_index = jax.random.randint(k2, (2, E), 0, N, dtype=jnp.int64)
    # MLP params: Linear(128,128) -> ReLU -> Linear(128,128)
    lim1 = 1.0 / np.sqrt(D)
    W1 = jax.random.uniform(k3, (D, D), dtype=jnp.float32, minval=-lim1, maxval=lim1)
    b1 = jax.random.uniform(k4, (D,), dtype=jnp.float32, minval=-lim1, maxval=lim1)
    lim2 = 1.0 / np.sqrt(D)
    W2 = jax.random.uniform(k5, (D, D), dtype=jnp.float32, minval=-lim2, maxval=lim2)
    b2 = jax.random.uniform(k6, (D,), dtype=jnp.float32, minval=-lim2, maxval=lim2)
    return {"x": x, "edge_index": edge_index, "W1": W1, "b1": b1, "W2": W2, "b2": b2}

def reference(x, edge_index, W1, b1, W2, b2):
    # GINConv: out = nn((1 + eps) * x + sum_{j in N(i)} x_j)
    src = edge_index[0]
    dst = edge_index[1]
    msgs = jnp.take(x, src, axis=0)            # gather source features [E, D]
    agg = jnp.zeros_like(x).at[dst].add(msgs)  # scatter-add to destination nodes
    h = (1.0 + EPS) * x + agg
    h = jnp.maximum(h @ W1 + b1, 0.0)
    out = h @ W2 + b2
    return out

if __name__ == "__main__":
    import jax
    _d = setup_inputs()
    print(jax.jit(kernel)(*tuple(_d.values())))

</pallas_src>

<mosaic_0001>
#map = affine_map<(d0, d1) -> (0, 0)>
#map1 = affine_map<(d0, d1) -> (0)>
#map2 = affine_map<(d0, d1) -> (0, 0, 0, 0)>
#map3 = affine_map<(d0, d1) -> (0, 0, 0)>
module attributes {stable_mosaic.version = 14 : i64} {
  func.func @agg(%arg0: i32, %arg1: i32, %arg2: memref<10000x128xf32, #tpu.memory_space<hbm>>, %arg3: memref<640000xi32, #tpu.memory_space<hbm>>, %arg4: memref<2x32x125x80xi32, #tpu.memory_space<hbm>>, %arg5: memref<2x10000x128xf32, #tpu.memory_space<hbm>>, %arg6: memref<10000xi32, #tpu.memory_space<vmem>>, %arg7: memref<125x80xi32, #tpu.memory_space<vmem>>, %arg8: memref<80x128xf32, #tpu.memory_space<vmem>>, %arg9: memref<80x128xf32, #tpu.memory_space<vmem>>, %arg10: memref<10000x128xf32, #tpu.memory_space<vmem_shared>>, %arg11: memref<!tpu.dma_semaphore, #tpu.memory_space<semaphore_mem>>, %arg12: memref<!tpu.dma_semaphore, #tpu.memory_space<semaphore_mem>>) attributes {dimension_semantics = [#tpu.dimension_semantics<core_parallel>, #tpu.dimension_semantics<subcore_parallel>], iteration_bounds = array<i64: 2, 16>, scalar_prefetch = 0 : i64, scratch_operands = 7 : i64, tpu.core_type = #tpu.core_type<sc_vector_subcore>, window_params = [{transform_indices = #map}, {transform_indices = #map1}, {transform_indices = #map2}, {transform_indices = #map3}]} {
    %mul3A = arith.constant 16 : i32
    %mul3A_0 = arith.muli %arg0, %mul3A : i32
    %add3A = arith.addi %mul3A_0, %arg1 : i32
    %mul3A_1 = arith.constant 10000 : i32
    %mul3A_2 = arith.muli %add3A, %mul3A_1 : i32
    %multiple_of3A = tpu.assume_multiple %mul3A_2, 8 : i32
    "tpu.region"() ({
      %run_scoped3A_70 = tpu.sem_alloc : memref<!tpu.dma_semaphore, #tpu.memory_space<semaphore_mem>>
      %dma_start3A_71 = tpu.memref_slice %arg3[%multiple_of3A] : memref<640000xi32, #tpu.memory_space<hbm>> -> memref<10000xi32, #tpu.memory_space<hbm>>
      %dma_start3A_72 = tpu.memref_slice %arg3[%multiple_of3A] : memref<640000xi32, #tpu.memory_space<hbm>> -> memref<10000xi32, #tpu.memory_space<hbm>>
      tpu.enqueue_dma source(%dma_start3A_72 : memref<10000xi32, #tpu.memory_space<hbm>>) target(%arg6 : memref<10000xi32, #tpu.memory_space<vmem>>) target_semaphore(%run_scoped3A_70 : memref<!tpu.dma_semaphore, #tpu.memory_space<semaphore_mem>>)
      %dma_wait3A_73 = tpu.memref_slice %arg3[%multiple_of3A] : memref<640000xi32, #tpu.memory_space<hbm>> -> memref<10000xi32, #tpu.memory_space<hbm>>
      %dma_wait3A_74 = tpu.memref_slice %arg3[%multiple_of3A] : memref<640000xi32, #tpu.memory_space<hbm>> -> memref<10000xi32, #tpu.memory_space<hbm>>
      tpu.wait_dma2 semaphore(%run_scoped3A_70 : memref<!tpu.dma_semaphore, #tpu.memory_space<semaphore_mem>>) src(%dma_wait3A_74 : memref<10000xi32, #tpu.memory_space<hbm>>) dst(%arg6 : memref<10000xi32, #tpu.memory_space<vmem>>)
      tpu.yield
    }) : () -> ()
    %run_scoped3A = arith.constant 1 : i32
    "tpu.region"() ({
      %run_scoped3A_70 = tpu.sem_alloc : memref<!tpu.dma_semaphore, #tpu.memory_space<semaphore_mem>>
      %dma_start3A_71 = arith.constant 0 : i32
      %dma_start3A_72 = arith.constant 0 : i32
      %dma_start3A_73 = tpu.memref_slice %arg4[%run_scoped3A, %add3A, %dma_start3A_71, %dma_start3A_72] : memref<2x32x125x80xi32, #tpu.memory_space<hbm>> -> memref<1x1x125x80xi32, #tpu.memory_space<hbm>>
      %dma_start3A_74 = tpu.memref_squeeze %dma_start3A_73 : memref<1x1x125x80xi32, #tpu.memory_space<hbm>> -> memref<125x80xi32, #tpu.memory_space<hbm>>
      %dma_start3A_75 = arith.constant 0 : i32
      %dma_start3A_76 = arith.constant 0 : i32
      %dma_start3A_77 = tpu.memref_slice %arg4[%run_scoped3A, %add3A, %dma_start3A_75, %dma_start3A_76] : memref<2x32x125x80xi32, #tpu.memory_space<hbm>> -> memref<1x1x125x80xi32, #tpu.memory_space<hbm>>
      %dma_start3A_78 = tpu.memref_squeeze %dma_start3A_77 : memref<1x1x125x80xi32, #tpu.memory_space<hbm>> -> memref<125x80xi32, #tpu.memory_space<hbm>>
      tpu.enqueue_dma source(%dma_start3A_78 : memref<125x80xi32, #tpu.memory_space<hbm>>) target(%arg7 : memref<125x80xi32, #tpu.memory_space<vmem>>) target_semaphore(%run_scoped3A_70 : memref<!tpu.dma_semaphore, #tpu.memory_space<semaphore_mem>>)
      %dma_wait3A_79 = arith.constant 0 : i32
      %dma_wait3A_80 = arith.constant 0 : i32
      %dma_wait3A_81 = tpu.memref_slice %arg4[%run_scoped3A, %add3A, %dma_wait3A_79, %dma_wait3A_80] : memref<2x32x125x80xi32, #tpu.memory_space<hbm>> -> memref<1x1x125x80xi32, #tpu.memory_space<hbm>>
      %dma_wait3A_82 = tpu.memref_squeeze %dma_wait3A_81 : memref<1x1x125x80xi32, #tpu.memory_space<hbm>> -> memref<125x80xi32, #tpu.memory_space<hbm>>
      %dma_wait3A_83 = arith.constant 0 : i32
      %dma_wait3A_84 = arith.constant 0 : i32
      %dma_wait3A_85 = tpu.memref_slice %arg4[%run_scoped3A, %add3A, %dma_wait3A_83, %dma_wait3A_84] : memref<2x32x125x80xi32, #tpu.memory_space<hbm>> -> memref<1x1x125x80xi32, #tpu.memory_space<hbm>>
      %dma_wait3A_86 = tpu.memref_squeeze %dma_wait3A_85 : memref<1x1x125x80xi32, #tpu.memory_space<hbm>> -> memref<125x80xi32, #tpu.memory_space<hbm>>
      tpu.wait_dma2 semaphore(%run_scoped3A_70 : memref<!tpu.dma_semaphore, #tpu.memory_space<semaphore_mem>>) src(%dma_wait3A_86 : memref<125x80xi32, #tpu.memory_space<hbm>>) dst(%arg7 : memref<125x80xi32, #tpu.memory_space<vmem>>)
      tpu.yield
    }) : () -> ()
    %multiple_of3A_3 = arith.constant 0 : i32
    %multiple_of3A_4 = tpu.assume_multiple %multiple_of3A_3, 8 : i32
    %dma_start3A = arith.constant 0 : i32
    %dma_start3A_5 = arith.constant 0 : i32
    %dma_start3A_6 = tpu.memref_slice %arg8[%dma_start3A, %dma_start3A_5] : memref<80x128xf32, #tpu.memory_space<vmem>> -> memref<40x128xf32, #tpu.memory_space<vmem>>
    %dma_start3A_7 = tpu.memref_slice %arg6[%multiple_of3A_4] : memref<10000xi32, #tpu.memory_space<vmem>> -> memref<40xi32, #tpu.memory_space<vmem>>
    %dma_start3A_8 = arith.constant 0 : i32
    %dma_start3A_9 = arith.constant 0 : i32
    %dma_start3A_10 = tpu.memref_slice %arg2[%dma_start3A_8, %dma_start3A_9] : memref<10000x128xf32, #tpu.memory_space<hbm>> -> memref<10000x128xf32, #tpu.memory_space<hbm>>
    tpu.enqueue_indirect_dma source(%dma_start3A_10 : memref<10000x128xf32, #tpu.memory_space<hbm>>) target(%dma_start3A_6 : memref<40x128xf32, #tpu.memory_space<vmem>>) offsets(%dma_start3A_7 : memref<40xi32, #tpu.memory_space<vmem>>) semaphore(%arg11 : memref<!tpu.dma_semaphore, #tpu.memory_space<semaphore_mem>>)
    %multiple_of3A_11 = arith.constant 40 : i32
    %multiple_of3A_12 = tpu.assume_multiple %multiple_of3A_11, 8 : i32
    %dma_start3A_13 = arith.constant 40 : i32
    %dma_start3A_14 = arith.constant 0 : i32
    %dma_start3A_15 = tpu.memref_slice %arg8[%dma_start3A_13, %dma_start3A_14] : memref<80x128xf32, #tpu.memory_space<vmem>> -> memref<40x128xf32, #tpu.memory_space<vmem>>
    %dma_start3A_16 = tpu.memref_slice %arg6[%multiple_of3A_12] : memref<10000xi32, #tpu.memory_space<vmem>> -> memref<40xi32, #tpu.memory_space<vmem>>
    %dma_start3A_17 = arith.constant 0 : i32
    %dma_start3A_18 = arith.constant 0 : i32
    %dma_start3A_19 = tpu.memref_slice %arg2[%dma_start3A_17, %dma_start3A_18] : memref<10000x128xf32, #tpu.memory_space<hbm>> -> memref<10000x128xf32, #tpu.memory_space<hbm>>
    tpu.enqueue_indirect_dma source(%dma_start3A_19 : memref<10000x128xf32, #tpu.memory_space<hbm>>) target(%dma_start3A_15 : memref<40x128xf32, #tpu.memory_space<vmem>>) offsets(%dma_start3A_16 : memref<40xi32, #tpu.memory_space<vmem>>) semaphore(%arg11 : memref<!tpu.dma_semaphore, #tpu.memory_space<semaphore_mem>>)
    %broadcast_in_dim3A = arith.constant 0.000000e+00 : f32
    %broadcast_in_dim3A_20 = vector.broadcast %broadcast_in_dim3A : f32 to vector<16xf32>
    %scan3A = arith.constant 0 : i32
    %scan3A_21 = arith.constant 0 : i32
    %scan3A_22 = arith.constant 80 : i32
    %scan3A_23 = arith.addi %scan3A_21, %scan3A_22 : i32
    %scan3A_24 = arith.constant 1 : i32
    scf.for %scan3A_70 = %scan3A_21 to %scan3A_23 step %scan3A_24  : i32 {
      %swap3A = arith.index_cast %scan3A_70 : i32 to index
      %swap3A_71 = arith.constant 0 : index
      %swap3A_72 = tpu.vector_load %arg9[%swap3A, %swap3A_71] {strides = array<i32>} : memref<80x128xf32, #tpu.memory_space<vmem>>, vector<1x16xf32>,
      %swap3A_73 = vector.shape_cast %swap3A_72 : vector<1x16xf32> to vector<16xf32>
      %swap3A_74 = vector.shape_cast %broadcast_in_dim3A_20 : vector<16xf32> to vector<1x16xf32>
      tpu.vector_store %arg9[%swap3A, %swap3A_71], %swap3A_74 {strides = array<i32>} : memref<80x128xf32, #tpu.memory_space<vmem>>, vector<1x16xf32>,
      %swap3A_75 = arith.index_cast %scan3A_70 : i32 to index
      %swap3A_76 = arith.constant 16 : index
      %swap3A_77 = tpu.vector_load %arg9[%swap3A_75, %swap3A_76] {strides = array<i32>} : memref<80x128xf32, #tpu.memory_space<vmem>>, vector<1x16xf32>,
      %swap3A_78 = vector.shape_cast %swap3A_77 : vector<1x16xf32> to vector<16xf32>
      %swap3A_79 = vector.shape_cast %broadcast_in_dim3A_20 : vector<16xf32> to vector<1x16xf32>
      tpu.vector_store %arg9[%swap3A_75, %swap3A_76], %swap3A_79 {strides = array<i32>} : memref<80x128xf32, #tpu.memory_space<vmem>>, vector<1x16xf32>,
      %swap3A_80 = arith.index_cast %scan3A_70 : i32 to index
      %swap3A_81 = arith.constant 32 : index
      %swap3A_82 = tpu.vector_load %arg9[%swap3A_80, %swap3A_81] {strides = array<i32>} : memref<80x128xf32, #tpu.memory_space<vmem>>, vector<1x16xf32>,
      %swap3A_83 = vector.shape_cast %swap3A_82 : vector<1x16xf32> to vector<16xf32>
      %swap3A_84 = vector.shape_cast %broadcast_in_dim3A_20 : vector<16xf32> to vector<1x16xf32>
      tpu.vector_store %arg9[%swap3A_80, %swap3A_81], %swap3A_84 {strides = array<i32>} : memref<80x128xf32, #tpu.memory_space<vmem>>, vector<1x16xf32>,
      %swap3A_85 = arith.index_cast %scan3A_70 : i32 to index
      %swap3A_86 = arith.constant 48 : index
      %swap3A_87 = tpu.vector_load %arg9[%swap3A_85, %swap3A_86] {strides = array<i32>} : memref<80x128xf32, #tpu.memory_space<vmem>>, vector<1x16xf32>,
      %swap3A_88 = vector.shape_cast %swap3A_87 : vector<1x16xf32> to vector<16xf32>
      %swap3A_89 = vector.shape_cast %broadcast_in_dim3A_20 : vector<16xf32> to vector<1x16xf32>
      tpu.vector_store %arg9[%swap3A_85, %swap3A_86], %swap3A_89 {strides = array<i32>} : memref<80x128xf32, #tpu.memory_space<vmem>>, vector<1x16xf32>,
      %swap3A_90 = arith.index_cast %scan3A_70 : i32 to index
      %swap3A_91 = arith.constant 64 : index
      %swap3A_92 = tpu.vector_load %arg9[%swap3A_90, %swap3A_91] {strides = array<i32>} : memref<80x128xf32, #tpu.memory_space<vmem>>, vector<1x16xf32>,
      %swap3A_93 = vector.shape_cast %swap3A_92 : vector<1x16xf32> to vector<16xf32>
      %swap3A_94 = vector.shape_cast %broadcast_in_dim3A_20 : vector<16xf32> to vector<1x16xf32>
      tpu.vector_store %arg9[%swap3A_90, %swap3A_91], %swap3A_94 {strides = array<i32>} : memref<80x128xf32, #tpu.memory_space<vmem>>, vector<1x16xf32>,
      %swap3A_95 = arith.index_cast %scan3A_70 : i32 to index
      %swap3A_96 = arith.constant 80 : index
      %swap3A_97 = tpu.vector_load %arg9[%swap3A_95, %swap3A_96] {strides = array<i32>} : memref<80x128xf32, #tpu.memory_space<vmem>>, vector<1x16xf32>,
      %swap3A_98 = vector.shape_cast %swap3A_97 : vector<1x16xf32> to vector<16xf32>
      %swap3A_99 = vector.shape_cast %broadcast_in_dim3A_20 : vector<16xf32> to vector<1x16xf32>
      tpu.vector_store %arg9[%swap3A_95, %swap3A_96], %swap3A_99 {strides = array<i32>} : memref<80x128xf32, #tpu.memory_space<vmem>>, vector<1x16xf32>,
      %swap3A_100 = arith.index_cast %scan3A_70 : i32 to index
      %swap3A_101 = arith.constant 96 : index
      %swap3A_102 = tpu.vector_load %arg9[%swap3A_100, %swap3A_101] {strides = array<i32>} : memref<80x128xf32, #tpu.memory_space<vmem>>, vector<1x16xf32>,
      %swap3A_103 = vector.shape_cast %swap3A_102 : vector<1x16xf32> to vector<16xf32>
      %swap3A_104 = vector.shape_cast %broadcast_in_dim3A_20 : vector<16xf32> to vector<1x16xf32>
      tpu.vector_store %arg9[%swap3A_100, %swap3A_101], %swap3A_104 {strides = array<i32>} : memref<80x128xf32, #tpu.memory_space<vmem>>, vector<1x16xf32>,
      %swap3A_105 = arith.index_cast %scan3A_70 : i32 to index
      %swap3A_106 = arith.constant 112 : index
      %swap3A_107 = tpu.vector_load %arg9[%swap3A_105, %swap3A_106] {strides = array<i32>} : memref<80x128xf32, #tpu.memory_space<vmem>>, vector<1x16xf32>,
      %swap3A_108 = vector.shape_cast %swap3A_107 : vector<1x16xf32> to vector<16xf32>
      %swap3A_109 = vector.shape_cast %broadcast_in_dim3A_20 : vector<16xf32> to vector<1x16xf32>
      tpu.vector_store %arg9[%swap3A_105, %swap3A_106], %swap3A_109 {strides = array<i32>} : memref<80x128xf32, #tpu.memory_space<vmem>>, vector<1x16xf32>,
    }
    %scan3A_25 = arith.constant 80 : i32
    %mul3A_26 = arith.constant 640 : i32
    %mul3A_27 = arith.muli %arg1, %mul3A_26 : i32
    %multiple_of3A_28 = tpu.assume_multiple %mul3A_27, 8 : i32
    %lt3A = arith.constant 15 : i32
    %lt3A_29 = arith.cmpi slt, %arg1, %lt3A : i32
    %convert_element_type3A = arith.extui %lt3A_29 : i1 to i32
    %cond3A = arith.constant 0 : i32
    %cond3A_30 = arith.cmpi ne, %convert_element_type3A, %cond3A : i32
    scf.if %cond3A_30 {
      %add3A_70 = arith.constant 0 : i32
      %add3A_71 = arith.addi %multiple_of3A_28, %add3A_70 : i32
      "tpu.region"() ({
        %run_scoped3A_86 = tpu.sem_alloc : memref<!tpu.dma_semaphore, #tpu.memory_space<semaphore_mem>>
        %dma_start3A_87 = arith.constant 0 : i32
        %dma_start3A_88 = tpu.memref_slice %arg10[%add3A_71, %dma_start3A_87] : memref<10000x128xf32, #tpu.memory_space<vmem_shared>> -> memref<80x128xf32, #tpu.memory_space<vmem_shared>>
        %dma_start3A_89 = arith.constant 0 : i32
        %dma_start3A_90 = tpu.memref_slice %arg10[%add3A_71, %dma_start3A_89] : memref<10000x128xf32, #tpu.memory_space<vmem_shared>> -> memref<80x128xf32, #tpu.memory_space<vmem_shared>>
        tpu.enqueue_dma source(%arg9 : memref<80x128xf32, #tpu.memory_space<vmem>>) target(%dma_start3A_90 : memref<80x128xf32, #tpu.memory_space<vmem_shared>>) target_semaphore(%run_scoped3A_86 : memref<!tpu.dma_semaphore, #tpu.memory_space<semaphore_mem>>)
        %dma_wait3A_91 = arith.constant 0 : i32
        %dma_wait3A_92 = tpu.memref_slice %arg10[%add3A_71, %dma_wait3A_91] : memref<10000x128xf32, #tpu.memory_space<vmem_shared>> -> memref<80x128xf32, #tpu.memory_space<vmem_shared>>
        %dma_wait3A_93 = arith.constant 0 : i32
        %dma_wait3A_94 = tpu.memref_slice %arg10[%add3A_71, %dma_wait3A_93] : memref<10000x128xf32, #tpu.memory_space<vmem_shared>> -> memref<80x128xf32, #tpu.memory_space<vmem_shared>>
        tpu.wait_dma2 semaphore(%run_scoped3A_86 : memref<!tpu.dma_semaphore, #tpu.memory_space<semaphore_mem>>) src(%arg9 : memref<80x128xf32, #tpu.memory_space<vmem>>) dst(%dma_wait3A_94 : memref<80x128xf32, #tpu.memory_space<vmem_shared>>)
        tpu.yield
      }) : () -> ()
      %add3A_72 = arith.constant 80 : i32
      %add3A_73 = arith.addi %multiple_of3A_28, %add3A_72 : i32
      "tpu.region"() ({
        %run_scoped3A_86 = tpu.sem_alloc : memref<!tpu.dma_semaphore, #tpu.memory_space<semaphore_mem>>
        %dma_start3A_87 = arith.constant 0 : i32
        %dma_start3A_88 = tpu.memref_slice %arg10[%add3A_73, %dma_start3A_87] : memref<10000x128xf32, #tpu.memory_space<vmem_shared>> -> memref<80x128xf32, #tpu.memory_space<vmem_shared>>
        %dma_start3A_89 = arith.constant 0 : i32
        %dma_start3A_90 = tpu.memref_slice %arg10[%add3A_73, %dma_start3A_89] : memref<10000x128xf32, #tpu.memory_space<vmem_shared>> -> memref<80x128xf32, #tpu.memory_space<vmem_shared>>
        tpu.enqueue_dma source(%arg9 : memref<80x128xf32, #tpu.memory_space<vmem>>) target(%dma_start3A_90 : memref<80x128xf32, #tpu.memory_space<vmem_shared>>) target_semaphore(%run_scoped3A_86 : memref<!tpu.dma_semaphore, #tpu.memory_space<semaphore_mem>>)
        %dma_wait3A_91 = arith.constant 0 : i32
        %dma_wait3A_92 = tpu.memref_slice %arg10[%add3A_73, %dma_wait3A_91] : memref<10000x128xf32, #tpu.memory_space<vmem_shared>> -> memref<80x128xf32, #tpu.memory_space<vmem_shared>>
        %dma_wait3A_93 = arith.constant 0 : i32
        %dma_wait3A_94 = tpu.memref_slice %arg10[%add3A_73, %dma_wait3A_93] : memref<10000x128xf32, #tpu.memory_space<vmem_shared>> -> memref<80x128xf32, #tpu.memory_space<vmem_shared>>
        tpu.wait_dma2 semaphore(%run_scoped3A_86 : memref<!tpu.dma_semaphore, #tpu.memory_space<semaphore_mem>>) src(%arg9 : memref<80x128xf32, #tpu.memory_space<vmem>>) dst(%dma_wait3A_94 : memref<80x128xf32, #tpu.memory_space<vmem_shared>>)
        tpu.yield
      }) : () -> ()
      %add3A_74 = arith.constant 160 : i32
      %add3A_75 = arith.addi %multiple_of3A_28, %add3A_74 : i32
      "tpu.region"() ({
        %run_scoped3A_86 = tpu.sem_alloc : memref<!tpu.dma_semaphore, #tpu.memory_space<semaphore_mem>>
        %dma_start3A_87 = arith.constant 0 : i32
        %dma_start3A_88 = tpu.memref_slice %arg10[%add3A_75, %dma_start3A_87] : memref<10000x128xf32, #tpu.memory_space<vmem_shared>> -> memref<80x128xf32, #tpu.memory_space<vmem_shared>>
        %dma_start3A_89 = arith.constant 0 : i32
        %dma_start3A_90 = tpu.memref_slice %arg10[%add3A_75, %dma_start3A_89] : memref<10000x128xf32, #tpu.memory_space<vmem_shared>> -> memref<80x128xf32, #tpu.memory_space<vmem_shared>>
        tpu.enqueue_dma source(%arg9 : memref<80x128xf32, #tpu.memory_space<vmem>>) target(%dma_start3A_90 : memref<80x128xf32, #tpu.memory_space<vmem_shared>>) target_semaphore(%run_scoped3A_86 : memref<!tpu.dma_semaphore, #tpu.memory_space<semaphore_mem>>)
        %dma_wait3A_91 = arith.constant 0 : i32
        %dma_wait3A_92 = tpu.memref_slice %arg10[%add3A_75, %dma_wait3A_91] : memref<10000x128xf32, #tpu.memory_space<vmem_shared>> -> memref<80x128xf32, #tpu.memory_space<vmem_shared>>
        %dma_wait3A_93 = arith.constant 0 : i32
        %dma_wait3A_94 = tpu.memref_slice %arg10[%add3A_75, %dma_wait3A_93] : memref<10000x128xf32, #tpu.memory_space<vmem_shared>> -> memref<80x128xf32, #tpu.memory_space<vmem_shared>>
        tpu.wait_dma2 semaphore(%run_scoped3A_86 : memref<!tpu.dma_semaphore, #tpu.memory_space<semaphore_mem>>) src(%arg9 : memref<80x128xf32, #tpu.memory_space<vmem>>) dst(%dma_wait3A_94 : memref<80x128xf32, #tpu.memory_space<vmem_shared>>)
        tpu.yield
      }) : () -> ()
      %add3A_76 = arith.constant 240 : i32
      %add3A_77 = arith.addi %multiple_of3A_28, %add3A_76 : i32
      "tpu.region"() ({
        %run_scoped3A_86 = tpu.sem_alloc : memref<!tpu.dma_semaphore, #tpu.memory_space<semaphore_mem>>
        %dma_start3A_87 = arith.constant 0 : i32
        %dma_start3A_88 = tpu.memref_slice %arg10[%add3A_77, %dma_start3A_87] : memref<10000x128xf32, #tpu.memory_space<vmem_shared>> -> memref<80x128xf32, #tpu.memory_space<vmem_shared>>
        %dma_start3A_89 = arith.constant 0 : i32
        %dma_start3A_90 = tpu.memref_slice %arg10[%add3A_77, %dma_start3A_89] : memref<10000x128xf32, #tpu.memory_space<vmem_shared>> -> memref<80x128xf32, #tpu.memory_space<vmem_shared>>
        tpu.enqueue_dma source(%arg9 : memref<80x128xf32, #tpu.memory_space<vmem>>) target(%dma_start3A_90 : memref<80x128xf32, #tpu.memory_space<vmem_shared>>) target_semaphore(%run_scoped3A_86 : memref<!tpu.dma_semaphore, #tpu.memory_space<semaphore_mem>>)
        %dma_wait3A_91 = arith.constant 0 : i32
        %dma_wait3A_92 = tpu.memref_slice %arg10[%add3A_77, %dma_wait3A_91] : memref<10000x128xf32, #tpu.memory_space<vmem_shared>> -> memref<80x128xf32, #tpu.memory_space<vmem_shared>>
        %dma_wait3A_93 = arith.constant 0 : i32
        %dma_wait3A_94 = tpu.memref_slice %arg10[%add3A_77, %dma_wait3A_93] : memref<10000x128xf32, #tpu.memory_space<vmem_shared>> -> memref<80x128xf32, #tpu.memory_space<vmem_shared>>
        tpu.wait_dma2 semaphore(%run_scoped3A_86 : memref<!tpu.dma_semaphore, #tpu.memory_space<semaphore_mem>>) src(%arg9 : memref<80x128xf32, #tpu.memory_space<vmem>>) dst(%dma_wait3A_94 : memref<80x128xf32, #tpu.memory_space<vmem_shared>>)
        tpu.yield
      }) : () -> ()
      %add3A_78 = arith.constant 320 : i32
      %add3A_79 = arith.addi %multiple_of3A_28, %add3A_78 : i32
      "tpu.region"() ({
        %run_scoped3A_86 = tpu.sem_alloc : memref<!tpu.dma_semaphore, #tpu.memory_space<semaphore_mem>>
        %dma_start3A_87 = arith.constant 0 : i32
        %dma_start3A_88 = tpu.memref_slice %arg10[%add3A_79, %dma_start3A_87] : memref<10000x128xf32, #tpu.memory_space<vmem_shared>> -> memref<80x128xf32, #tpu.memory_space<vmem_shared>>
        %dma_start3A_89 = arith.constant 0 : i32
        %dma_start3A_90 = tpu.memref_slice %arg10[%add3A_79, %dma_start3A_89] : memref<10000x128xf32, #tpu.memory_space<vmem_shared>> -> memref<80x128xf32, #tpu.memory_space<vmem_shared>>
        tpu.enqueue_dma source(%arg9 : memref<80x128xf32, #tpu.memory_space<vmem>>) target(%dma_start3A_90 : memref<80x128xf32, #tpu.memory_space<vmem_shared>>) target_semaphore(%run_scoped3A_86 : memref<!tpu.dma_semaphore, #tpu.memory_space<semaphore_mem>>)
        %dma_wait3A_91 = arith.constant 0 : i32
        %dma_wait3A_92 = tpu.memref_slice %arg10[%add3A_79, %dma_wait3A_91] : memref<10000x128xf32, #tpu.memory_space<vmem_shared>> -> memref<80x128xf32, #tpu.memory_space<vmem_shared>>
        %dma_wait3A_93 = arith.constant 0 : i32
        %dma_wait3A_94 = tpu.memref_slice %arg10[%add3A_79, %dma_wait3A_93] : memref<10000x128xf32, #tpu.memory_space<vmem_shared>> -> memref<80x128xf32, #tpu.memory_space<vmem_shared>>
        tpu.wait_dma2 semaphore(%run_scoped3A_86 : memref<!tpu.dma_semaphore, #tpu.memory_space<semaphore_mem>>) src(%arg9 : memref<80x128xf32, #tpu.memory_space<vmem>>) dst(%dma_wait3A_94 : memref<80x128xf32, #tpu.memory_space<vmem_shared>>)
        tpu.yield
      }) : () -> ()
      %add3A_80 = arith.constant 400 : i32
      %add3A_81 = arith.addi %multiple_of3A_28, %add3A_80 : i32
      "tpu.region"() ({
        %run_scoped3A_86 = tpu.sem_alloc : memref<!tpu.dma_semaphore, #tpu.memory_space<semaphore_mem>>
        %dma_start3A_87 = arith.constant 0 : i32
        %dma_start3A_88 = tpu.memref_slice %arg10[%add3A_81, %dma_start3A_87] : memref<10000x128xf32, #tpu.memory_space<vmem_shared>> -> memref<80x128xf32, #tpu.memory_space<vmem_shared>>
        %dma_start3A_89 = arith.constant 0 : i32
        %dma_start3A_90 = tpu.memref_slice %arg10[%add3A_81, %dma_start3A_89] : memref<10000x128xf32, #tpu.memory_space<vmem_shared>> -> memref<80x128xf32, #tpu.memory_space<vmem_shared>>
        tpu.enqueue_dma source(%arg9 : memref<80x128xf32, #tpu.memory_space<vmem>>) target(%dma_start3A_90 : memref<80x128xf32, #tpu.memory_space<vmem_shared>>) target_semaphore(%run_scoped3A_86 : memref<!tpu.dma_semaphore, #tpu.memory_space<semaphore_mem>>)
        %dma_wait3A_91 = arith.constant 0 : i32
        %dma_wait3A_92 = tpu.memref_slice %arg10[%add3A_81, %dma_wait3A_91] : memref<10000x128xf32, #tpu.memory_space<vmem_shared>> -> memref<80x128xf32, #tpu.memory_space<vmem_shared>>
        %dma_wait3A_93 = arith.constant 0 : i32
        %dma_wait3A_94 = tpu.memref_slice %arg10[%add3A_81, %dma_wait3A_93] : memref<10000x128xf32, #tpu.memory_space<vmem_shared>> -> memref<80x128xf32, #tpu.memory_space<vmem_shared>>
        tpu.wait_dma2 semaphore(%run_scoped3A_86 : memref<!tpu.dma_semaphore, #tpu.memory_space<semaphore_mem>>) src(%arg9 : memref<80x128xf32, #tpu.memory_space<vmem>>) dst(%dma_wait3A_94 : memref<80x128xf32, #tpu.memory_space<vmem_shared>>)
        tpu.yield
      }) : () -> ()
      %add3A_82 = arith.constant 480 : i32
      %add3A_83 = arith.addi %multiple_of3A_28, %add3A_82 : i32
      "tpu.region"() ({
        %run_scoped3A_86 = tpu.sem_alloc : memref<!tpu.dma_semaphore, #tpu.memory_space<semaphore_mem>>
        %dma_start3A_87 = arith.constant 0 : i32
        %dma_start3A_88 = tpu.memref_slice %arg10[%add3A_83, %dma_start3A_87] : memref<10000x128xf32, #tpu.memory_space<vmem_shared>> -> memref<80x128xf32, #tpu.memory_space<vmem_shared>>
        %dma_start3A_89 = arith.constant 0 : i32
        %dma_start3A_90 = tpu.memref_slice %arg10[%add3A_83, %dma_start3A_89] : memref<10000x128xf32, #tpu.memory_space<vmem_shared>> -> memref<80x128xf32, #tpu.memory_space<vmem_shared>>
        tpu.enqueue_dma source(%arg9 : memref<80x128xf32, #tpu.memory_space<vmem>>) target(%dma_start3A_90 : memref<80x128xf32, #tpu.memory_space<vmem_shared>>) target_semaphore(%run_scoped3A_86 : memref<!tpu.dma_semaphore, #tpu.memory_space<semaphore_mem>>)
        %dma_wait3A_91 = arith.constant 0 : i32
        %dma_wait3A_92 = tpu.memref_slice %arg10[%add3A_83, %dma_wait3A_91] : memref<10000x128xf32, #tpu.memory_space<vmem_shared>> -> memref<80x128xf32, #tpu.memory_space<vmem_shared>>
        %dma_wait3A_93 = arith.constant 0 : i32
        %dma_wait3A_94 = tpu.memref_slice %arg10[%add3A_83, %dma_wait3A_93] : memref<10000x128xf32, #tpu.memory_space<vmem_shared>> -> memref<80x128xf32, #tpu.memory_space<vmem_shared>>
        tpu.wait_dma2 semaphore(%run_scoped3A_86 : memref<!tpu.dma_semaphore, #tpu.memory_space<semaphore_mem>>) src(%arg9 : memref<80x128xf32, #tpu.memory_space<vmem>>) dst(%dma_wait3A_94 : memref<80x128xf32, #tpu.memory_space<vmem_shared>>)
        tpu.yield
      }) : () -> ()
      %add3A_84 = arith.constant 560 : i32
      %add3A_85 = arith.addi %multiple_of3A_28, %add3A_84 : i32
      "tpu.region"() ({
        %run_scoped3A_86 = tpu.sem_alloc : memref<!tpu.dma_semaphore, #tpu.memory_space<semaphore_mem>>
        %dma_start3A_87 = arith.constant 0 : i32
        %dma_start3A_88 = tpu.memref_slice %arg10[%add3A_85, %dma_start3A_87] : memref<10000x128xf32, #tpu.memory_space<vmem_shared>> -> memref<80x128xf32, #tpu.memory_space<vmem_shared>>
        %dma_start3A_89 = arith.constant 0 : i32
        %dma_start3A_90 = tpu.memref_slice %arg10[%add3A_85, %dma_start3A_89] : memref<10000x128xf32, #tpu.memory_space<vmem_shared>> -> memref<80x128xf32, #tpu.memory_space<vmem_shared>>
        tpu.enqueue_dma source(%arg9 : memref<80x128xf32, #tpu.memory_space<vmem>>) target(%dma_start3A_90 : memref<80x128xf32, #tpu.memory_space<vmem_shared>>) target_semaphore(%run_scoped3A_86 : memref<!tpu.dma_semaphore, #tpu.memory_space<semaphore_mem>>)
        %dma_wait3A_91 = arith.constant 0 : i32
        %dma_wait3A_92 = tpu.memref_slice %arg10[%add3A_85, %dma_wait3A_91] : memref<10000x128xf32, #tpu.memory_space<vmem_shared>> -> memref<80x128xf32, #tpu.memory_space<vmem_shared>>
        %dma_wait3A_93 = arith.constant 0 : i32
        %dma_wait3A_94 = tpu.memref_slice %arg10[%add3A_85, %dma_wait3A_93] : memref<10000x128xf32, #tpu.memory_space<vmem_shared>> -> memref<80x128xf32, #tpu.memory_space<vmem_shared>>
        tpu.wait_dma2 semaphore(%run_scoped3A_86 : memref<!tpu.dma_semaphore, #tpu.memory_space<semaphore_mem>>) src(%arg9 : memref<80x128xf32, #tpu.memory_space<vmem>>) dst(%dma_wait3A_94 : memref<80x128xf32, #tpu.memory_space<vmem_shared>>)
        tpu.yield
      }) : () -> ()
    } else {
    }
    %eq3A = arith.constant 15 : i32
    %eq3A_31 = arith.cmpi eq, %arg1, %eq3A : i32
    %convert_element_type3A_32 = arith.extui %eq3A_31 : i1 to i32
    %cond3A_33 = arith.constant 0 : i32
    %cond3A_34 = arith.cmpi ne, %convert_element_type3A_32, %cond3A_33 : i32
    scf.if %cond3A_34 {
      "tpu.region"() ({
        %run_scoped3A_70 = tpu.sem_alloc : memref<!tpu.dma_semaphore, #tpu.memory_space<semaphore_mem>>
        %dma_start3A_71 = arith.constant 9600 : i32
        %dma_start3A_72 = arith.constant 0 : i32
        %dma_start3A_73 = tpu.memref_slice %arg10[%dma_start3A_71, %dma_start3A_72] : memref<10000x128xf32, #tpu.memory_space<vmem_shared>> -> memref<80x128xf32, #tpu.memory_space<vmem_shared>>
        %dma_start3A_74 = arith.constant 9600 : i32
        %dma_start3A_75 = arith.constant 0 : i32
        %dma_start3A_76 = tpu.memref_slice %arg10[%dma_start3A_74, %dma_start3A_75] : memref<10000x128xf32, #tpu.memory_space<vmem_shared>> -> memref<80x128xf32, #tpu.memory_space<vmem_shared>>
        tpu.enqueue_dma source(%arg9 : memref<80x128xf32, #tpu.memory_space<vmem>>) target(%dma_start3A_76 : memref<80x128xf32, #tpu.memory_space<vmem_shared>>) target_semaphore(%run_scoped3A_70 : memref<!tpu.dma_semaphore, #tpu.memory_space<semaphore_mem>>)
        %dma_wait3A_77 = arith.constant 9600 : i32
        %dma_wait3A_78 = arith.constant 0 : i32
        %dma_wait3A_79 = tpu.memref_slice %arg10[%dma_wait3A_77, %dma_wait3A_78] : memref<10000x128xf32, #tpu.memory_space<vmem_shared>> -> memref<80x128xf32, #tpu.memory_space<vmem_shared>>
        %dma_wait3A_80 = arith.constant 9600 : i32
        %dma_wait3A_81 = arith.constant 0 : i32
        %dma_wait3A_82 = tpu.memref_slice %arg10[%dma_wait3A_80, %dma_wait3A_81] : memref<10000x128xf32, #tpu.memory_space<vmem_shared>> -> memref<80x128xf32, #tpu.memory_space<vmem_shared>>
        tpu.wait_dma2 semaphore(%run_scoped3A_70 : memref<!tpu.dma_semaphore, #tpu.memory_space<semaphore_mem>>) src(%arg9 : memref<80x128xf32, #tpu.memory_space<vmem>>) dst(%dma_wait3A_82 : memref<80x128xf32, #tpu.memory_space<vmem_shared>>)
        tpu.yield
      }) : () -> ()
      "tpu.region"() ({
        %run_scoped3A_70 = tpu.sem_alloc : memref<!tpu.dma_semaphore, #tpu.memory_space<semaphore_mem>>
        %dma_start3A_71 = arith.constant 9680 : i32
        %dma_start3A_72 = arith.constant 0 : i32
        %dma_start3A_73 = tpu.memref_slice %arg10[%dma_start3A_71, %dma_start3A_72] : memref<10000x128xf32, #tpu.memory_space<vmem_shared>> -> memref<80x128xf32, #tpu.memory_space<vmem_shared>>
        %dma_start3A_74 = arith.constant 9680 : i32
        %dma_start3A_75 = arith.constant 0 : i32
        %dma_start3A_76 = tpu.memref_slice %arg10[%dma_start3A_74, %dma_start3A_75] : memref<10000x128xf32, #tpu.memory_space<vmem_shared>> -> memref<80x128xf32, #tpu.memory_space<vmem_shared>>
        tpu.enqueue_dma source(%arg9 : memref<80x128xf32, #tpu.memory_space<vmem>>) target(%dma_start3A_76 : memref<80x128xf32, #tpu.memory_space<vmem_shared>>) target_semaphore(%run_scoped3A_70 : memref<!tpu.dma_semaphore, #tpu.memory_space<semaphore_mem>>)
        %dma_wait3A_77 = arith.constant 9680 : i32
        %dma_wait3A_78 = arith.constant 0 : i32
        %dma_wait3A_79 = tpu.memref_slice %arg10[%dma_wait3A_77, %dma_wait3A_78] : memref<10000x128xf32, #tpu.memory_space<vmem_shared>> -> memref<80x128xf32, #tpu.memory_space<vmem_shared>>
        %dma_wait3A_80 = arith.constant 9680 : i32
        %dma_wait3A_81 = arith.constant 0 : i32
        %dma_wait3A_82 = tpu.memref_slice %arg10[%dma_wait3A_80, %dma_wait3A_81] : memref<10000x128xf32, #tpu.memory_space<vmem_shared>> -> memref<80x128xf32, #tpu.memory_space<vmem_shared>>
        tpu.wait_dma2 semaphore(%run_scoped3A_70 : memref<!tpu.dma_semaphore, #tpu.memory_space<semaphore_mem>>) src(%arg9 : memref<80x128xf32, #tpu.memory_space<vmem>>) dst(%dma_wait3A_82 : memref<80x128xf32, #tpu.memory_space<vmem_shared>>)
        tpu.yield
      }) : () -> ()
      "tpu.region"() ({
        %run_scoped3A_70 = tpu.sem_alloc : memref<!tpu.dma_semaphore, #tpu.memory_space<semaphore_mem>>
        %dma_start3A_71 = arith.constant 9760 : i32
        %dma_start3A_72 = arith.constant 0 : i32
        %dma_start3A_73 = tpu.memref_slice %arg10[%dma_start3A_71, %dma_start3A_72] : memref<10000x128xf32, #tpu.memory_space<vmem_shared>> -> memref<80x128xf32, #tpu.memory_space<vmem_shared>>
        %dma_start3A_74 = arith.constant 9760 : i32
        %dma_start3A_75 = arith.constant 0 : i32
        %dma_start3A_76 = tpu.memref_slice %arg10[%dma_start3A_74, %dma_start3A_75] : memref<10000x128xf32, #tpu.memory_space<vmem_shared>> -> memref<80x128xf32, #tpu.memory_space<vmem_shared>>
        tpu.enqueue_dma source(%arg9 : memref<80x128xf32, #tpu.memory_space<vmem>>) target(%dma_start3A_76 : memref<80x128xf32, #tpu.memory_space<vmem_shared>>) target_semaphore(%run_scoped3A_70 : memref<!tpu.dma_semaphore, #tpu.memory_space<semaphore_mem>>)
        %dma_wait3A_77 = arith.constant 9760 : i32
        %dma_wait3A_78 = arith.constant 0 : i32
        %dma_wait3A_79 = tpu.memref_slice %arg10[%dma_wait3A_77, %dma_wait3A_78] : memref<10000x128xf32, #tpu.memory_space<vmem_shared>> -> memref<80x128xf32, #tpu.memory_space<vmem_shared>>
        %dma_wait3A_80 = arith.constant 9760 : i32
        %dma_wait3A_81 = arith.constant 0 : i32
        %dma_wait3A_82 = tpu.memref_slice %arg10[%dma_wait3A_80, %dma_wait3A_81] : memref<10000x128xf32, #tpu.memory_space<vmem_shared>> -> memref<80x128xf32, #tpu.memory_space<vmem_shared>>
        tpu.wait_dma2 semaphore(%run_scoped3A_70 : memref<!tpu.dma_semaphore, #tpu.memory_space<semaphore_mem>>) src(%arg9 : memref<80x128xf32, #tpu.memory_space<vmem>>) dst(%dma_wait3A_82 : memref<80x128xf32, #tpu.memory_space<vmem_shared>>)
        tpu.yield
      }) : () -> ()
      "tpu.region"() ({
        %run_scoped3A_70 = tpu.sem_alloc : memref<!tpu.dma_semaphore, #tpu.memory_space<semaphore_mem>>
        %dma_start3A_71 = arith.constant 9840 : i32
        %dma_start3A_72 = arith.constant 0 : i32
        %dma_start3A_73 = tpu.memref_slice %arg10[%dma_start3A_71, %dma_start3A_72] : memref<10000x128xf32, #tpu.memory_space<vmem_shared>> -> memref<80x128xf32, #tpu.memory_space<vmem_shared>>
        %dma_start3A_74 = arith.constant 9840 : i32
        %dma_start3A_75 = arith.constant 0 : i32
        %dma_start3A_76 = tpu.memref_slice %arg10[%dma_start3A_74, %dma_start3A_75] : memref<10000x128xf32, #tpu.memory_space<vmem_shared>> -> memref<80x128xf32, #tpu.memory_space<vmem_shared>>
        tpu.enqueue_dma source(%arg9 : memref<80x128xf32, #tpu.memory_space<vmem>>) target(%dma_start3A_76 : memref<80x128xf32, #tpu.memory_space<vmem_shared>>) target_semaphore(%run_scoped3A_70 : memref<!tpu.dma_semaphore, #tpu.memory_space<semaphore_mem>>)
        %dma_wait3A_77 = arith.constant 9840 : i32
        %dma_wait3A_78 = arith.constant 0 : i32
        %dma_wait3A_79 = tpu.memref_slice %arg10[%dma_wait3A_77, %dma_wait3A_78] : memref<10000x128xf32, #tpu.memory_space<vmem_shared>> -> memref<80x128xf32, #tpu.memory_space<vmem_shared>>
        %dma_wait3A_80 = arith.constant 9840 : i32
        %dma_wait3A_81 = arith.constant 0 : i32
        %dma_wait3A_82 = tpu.memref_slice %arg10[%dma_wait3A_80, %dma_wait3A_81] : memref<10000x128xf32, #tpu.memory_space<vmem_shared>> -> memref<80x128xf32, #tpu.memory_space<vmem_shared>>
        tpu.wait_dma2 semaphore(%run_scoped3A_70 : memref<!tpu.dma_semaphore, #tpu.memory_space<semaphore_mem>>) src(%arg9 : memref<80x128xf32, #tpu.memory_space<vmem>>) dst(%dma_wait3A_82 : memref<80x128xf32, #tpu.memory_space<vmem_shared>>)
        tpu.yield
      }) : () -> ()
      "tpu.region"() ({
        %run_scoped3A_70 = tpu.sem_alloc : memref<!tpu.dma_semaphore, #tpu.memory_space<semaphore_mem>>
        %dma_start3A_71 = arith.constant 9920 : i32
        %dma_start3A_72 = arith.constant 0 : i32
        %dma_start3A_73 = tpu.memref_slice %arg10[%dma_start3A_71, %dma_start3A_72] : memref<10000x128xf32, #tpu.memory_space<vmem_shared>> -> memref<80x128xf32, #tpu.memory_space<vmem_shared>>
        %dma_start3A_74 = arith.constant 9920 : i32
        %dma_start3A_75 = arith.constant 0 : i32
        %dma_start3A_76 = tpu.memref_slice %arg10[%dma_start3A_74, %dma_start3A_75] : memref<10000x128xf32, #tpu.memory_space<vmem_shared>> -> memref<80x128xf32, #tpu.memory_space<vmem_shared>>
        tpu.enqueue_dma source(%arg9 : memref<80x128xf32, #tpu.memory_space<vmem>>) target(%dma_start3A_76 : memref<80x128xf32, #tpu.memory_space<vmem_shared>>) target_semaphore(%run_scoped3A_70 : memref<!tpu.dma_semaphore, #tpu.memory_space<semaphore_mem>>)
        %dma_wait3A_77 = arith.constant 9920 : i32
        %dma_wait3A_78 = arith.constant 0 : i32
        %dma_wait3A_79 = tpu.memref_slice %arg10[%dma_wait3A_77, %dma_wait3A_78] : memref<10000x128xf32, #tpu.memory_space<vmem_shared>> -> memref<80x128xf32, #tpu.memory_space<vmem_shared>>
        %dma_wait3A_80 = arith.constant 9920 : i32
        %dma_wait3A_81 = arith.constant 0 : i32
        %dma_wait3A_82 = tpu.memref_slice %arg10[%dma_wait3A_80, %dma_wait3A_81] : memref<10000x128xf32, #tpu.memory_space<vmem_shared>> -> memref<80x128xf32, #tpu.memory_space<vmem_shared>>
        tpu.wait_dma2 semaphore(%run_scoped3A_70 : memref<!tpu.dma_semaphore, #tpu.memory_space<semaphore_mem>>) src(%arg9 : memref<80x128xf32, #tpu.memory_space<vmem>>) dst(%dma_wait3A_82 : memref<80x128xf32, #tpu.memory_space<vmem_shared>>)
        tpu.yield
      }) : () -> ()
    } else {
    }
    %barrier3A = arith.constant 0 : index
    tpu.barrier barrier_id(%barrier3A)
    %scan3A_35 = arith.constant 0 : i32
    %scan3A_36 = arith.constant 0 : i32
    %scan3A_37 = arith.constant 62 : i32
    %scan3A_38 = arith.addi %scan3A_36, %scan3A_37 : i32
    %scan3A_39 = arith.constant 1 : i32
    scf.for %scan3A_70 = %scan3A_36 to %scan3A_38 step %scan3A_39  : i32 {
      %mul3A_71 = arith.constant 2 : i32
      %mul3A_72 = arith.muli %mul3A_71, %scan3A_70 : i32
      %add3A_73 = arith.constant 1 : i32
      %add3A_74 = arith.addi %mul3A_72, %add3A_73 : i32
      %mul3A_75 = arith.constant 80 : i32
      %mul3A_76 = arith.muli %add3A_74, %mul3A_75 : i32
      %add3A_77 = arith.constant 0 : i32
      %add3A_78 = arith.addi %mul3A_76, %add3A_77 : i32
      %multiple_of3A_79 = tpu.assume_multiple %add3A_78, 8 : i32
      %dma_start3A_80 = arith.constant 0 : i32
      %dma_start3A_81 = arith.constant 0 : i32
      %dma_start3A_82 = tpu.memref_slice %arg9[%dma_start3A_80, %dma_start3A_81] : memref<80x128xf32, #tpu.memory_space<vmem>> -> memref<40x128xf32, #tpu.memory_space<vmem>>
      %dma_start3A_83 = tpu.memref_slice %arg6[%multiple_of3A_79] : memref<10000xi32, #tpu.memory_space<vmem>> -> memref<40xi32, #tpu.memory_space<vmem>>
      %dma_start3A_84 = arith.constant 0 : i32
      %dma_start3A_85 = arith.constant 0 : i32
      %dma_start3A_86 = tpu.memref_slice %arg2[%dma_start3A_84, %dma_start3A_85] : memref<10000x128xf32, #tpu.memory_space<hbm>> -> memref<10000x128xf32, #tpu.memory_space<hbm>>
      tpu.enqueue_indirect_dma source(%dma_start3A_86 : memref<10000x128xf32, #tpu.memory_space<hbm>>) target(%dma_start3A_82 : memref<40x128xf32, #tpu.memory_space<vmem>>) offsets(%dma_start3A_83 : memref<40xi32, #tpu.memory_space<vmem>>) semaphore(%arg12 : memref<!tpu.dma_semaphore, #tpu.memory_space<semaphore_mem>>)
      %mul3A_87 = arith.constant 80 : i32
      %mul3A_88 = arith.muli %add3A_74, %mul3A_87 : i32
      %add3A_89 = arith.constant 40 : i32
      %add3A_90 = arith.addi %mul3A_88, %add3A_89 : i32
      %multiple_of3A_91 = tpu.assume_multiple %add3A_90, 8 : i32
      %dma_start3A_92 = arith.constant 40 : i32
      %dma_start3A_93 = arith.constant 0 : i32
      %dma_start3A_94 = tpu.memref_slice %arg9[%dma_start3A_92, %dma_start3A_93] : memref<80x128xf32, #tpu.memory_space<vmem>> -> memref<40x128xf32, #tpu.memory_space<vmem>>
      %dma_start3A_95 = tpu.memref_slice %arg6[%multiple_of3A_91] : memref<10000xi32, #tpu.memory_space<vmem>> -> memref<40xi32, #tpu.memory_space<vmem>>
      %dma_start3A_96 = arith.constant 0 : i32
      %dma_start3A_97 = arith.constant 0 : i32
      %dma_start3A_98 = tpu.memref_slice %arg2[%dma_start3A_96, %dma_start3A_97] : memref<10000x128xf32, #tpu.memory_space<hbm>> -> memref<10000x128xf32, #tpu.memory_space<hbm>>
      tpu.enqueue_indirect_dma source(%dma_start3A_98 : memref<10000x128xf32, #tpu.memory_space<hbm>>) target(%dma_start3A_94 : memref<40x128xf32, #tpu.memory_space<vmem>>) offsets(%dma_start3A_95 : memref<40xi32, #tpu.memory_space<vmem>>) semaphore(%arg12 : memref<!tpu.dma_semaphore, #tpu.memory_space<semaphore_mem>>)
      %mul3A_99 = arith.constant 80 : i32
      %mul3A_100 = arith.muli %mul3A_72, %mul3A_99 : i32
      %add3A_101 = arith.constant 0 : i32
      %add3A_102 = arith.addi %mul3A_100, %add3A_101 : i32
      %multiple_of3A_103 = tpu.assume_multiple %add3A_102, 8 : i32
      %dma_wait3A_104 = arith.constant 0 : i32
      %dma_wait3A_105 = arith.constant 0 : i32
      %dma_wait3A_106 = tpu.memref_slice %arg8[%dma_wait3A_104, %dma_wait3A_105] : memref<80x128xf32, #tpu.memory_space<vmem>> -> memref<40x128xf32, #tpu.memory_space<vmem>>
      %dma_wait3A_107 = tpu.memref_slice %arg6[%multiple_of3A_103] : memref<10000xi32, #tpu.memory_space<vmem>> -> memref<40xi32, #tpu.memory_space<vmem>>
      %dma_wait3A_108 = arith.constant 0 : i32
      %dma_wait3A_109 = arith.constant 0 : i32
      %dma_wait3A_110 = tpu.memref_slice %arg2[%dma_wait3A_108, %dma_wait3A_109] : memref<10000x128xf32, #tpu.memory_space<hbm>> -> memref<10000x128xf32, #tpu.memory_space<hbm>>
      tpu.wait_indirect_dma semaphore(%arg11 : memref<!tpu.dma_semaphore, #tpu.memory_space<semaphore_mem>>) src(%dma_wait3A_110 : memref<10000x128xf32, #tpu.memory_space<hbm>>) dst(%dma_wait3A_106 : memref<40x128xf32, #tpu.memory_space<vmem>>)
      %mul3A_111 = arith.constant 80 : i32
      %mul3A_112 = arith.muli %mul3A_72, %mul3A_111 : i32
      %add3A_113 = arith.constant 40 : i32
      %add3A_114 = arith.addi %mul3A_112, %add3A_113 : i32
      %multiple_of3A_115 = tpu.assume_multiple %add3A_114, 8 : i32
      %dma_wait3A_116 = arith.constant 40 : i32
      %dma_wait3A_117 = arith.constant 0 : i32
      %dma_wait3A_118 = tpu.memref_slice %arg8[%dma_wait3A_116, %dma_wait3A_117] : memref<80x128xf32, #tpu.memory_space<vmem>> -> memref<40x128xf32, #tpu.memory_space<vmem>>
      %dma_wait3A_119 = tpu.memref_slice %arg6[%multiple_of3A_115] : memref<10000xi32, #tpu.memory_space<vmem>> -> memref<40xi32, #tpu.memory_space<vmem>>
      %dma_wait3A_120 = arith.constant 0 : i32
      %dma_wait3A_121 = arith.constant 0 : i32
      %dma_wait3A_122 = tpu.memref_slice %arg2[%dma_wait3A_120, %dma_wait3A_121] : memref<10000x128xf32, #tpu.memory_space<hbm>> -> memref<10000x128xf32, #tpu.memory_space<hbm>>
      tpu.wait_indirect_dma semaphore(%arg11 : memref<!tpu.dma_semaphore, #tpu.memory_space<semaphore_mem>>) src(%dma_wait3A_122 : memref<10000x128xf32, #tpu.memory_space<hbm>>) dst(%dma_wait3A_118 : memref<40x128xf32, #tpu.memory_space<vmem>>)
      "tpu.region"() ({
        %run_scoped3A_177 = tpu.sem_alloc : memref<!tpu.dma_semaphore, #tpu.memory_space<semaphore_mem>>
        %dma_start3A_178 = arith.constant 0 : i32
        %dma_start3A_179 = tpu.memref_slice %arg7[%mul3A_72, %dma_start3A_178] : memref<125x80xi32, #tpu.memory_space<vmem>> -> memref<1x80xi32, #tpu.memory_space<vmem>>
        %dma_start3A_180 = tpu.memref_squeeze %dma_start3A_179 : memref<1x80xi32, #tpu.memory_space<vmem>> -> memref<80xi32, #tpu.memory_space<vmem>>
        %dma_start3A_181 = arith.constant 0 : i32
        %dma_start3A_182 = arith.constant 0 : i32
        %dma_start3A_183 = tpu.memref_slice %arg10[%dma_start3A_181, %dma_start3A_182] : memref<10000x128xf32, #tpu.memory_space<vmem_shared>> -> memref<10000x128xf32, #tpu.memory_space<vmem_shared>>
        tpu.enqueue_indirect_dma source(%arg8 : memref<80x128xf32, #tpu.memory_space<vmem>>) target(%dma_start3A_183 : memref<10000x128xf32, #tpu.memory_space<vmem_shared>>) offsets(%dma_start3A_180 : memref<80xi32, #tpu.memory_space<vmem>>) semaphore(%run_scoped3A_177 : memref<!tpu.dma_semaphore, #tpu.memory_space<semaphore_mem>>) {add = true}
        %dma_wait3A_184 = arith.constant 0 : i32
        %dma_wait3A_185 = tpu.memref_slice %arg7[%mul3A_72, %dma_wait3A_184] : memref<125x80xi32, #tpu.memory_space<vmem>> -> memref<1x80xi32, #tpu.memory_space<vmem>>
        %dma_wait3A_186 = tpu.memref_squeeze %dma_wait3A_185 : memref<1x80xi32, #tpu.memory_space<vmem>> -> memref<80xi32, #tpu.memory_space<vmem>>
        %dma_wait3A_187 = arith.constant 0 : i32
        %dma_wait3A_188 = arith.constant 0 : i32
        %dma_wait3A_189 = tpu.memref_slice %arg10[%dma_wait3A_187, %dma_wait3A_188] : memref<10000x128xf32, #tpu.memory_space<vmem_shared>> -> memref<10000x128xf32, #tpu.memory_space<vmem_shared>>
        tpu.wait_indirect_dma semaphore(%run_scoped3A_177 : memref<!tpu.dma_semaphore, #tpu.memory_space<semaphore_mem>>) src(%arg8 : memref<80x128xf32, #tpu.memory_space<vmem>>) dst(%dma_wait3A_189 : memref<10000x128xf32, #tpu.memory_space<vmem_shared>>)
        tpu.yield
      }) : () -> ()
      %add3A_123 = arith.constant 2 : i32
      %add3A_124 = arith.addi %mul3A_72, %add3A_123 : i32
      %mul3A_125 = arith.constant 80 : i32
      %mul3A_126 = arith.muli %add3A_124, %mul3A_125 : i32
      %add3A_127 = arith.constant 0 : i32
      %add3A_128 = arith.addi %mul3A_126, %add3A_127 : i32
      %multiple_of3A_129 = tpu.assume_multiple %add3A_128, 8 : i32
      %dma_start3A_130 = arith.constant 0 : i32
      %dma_start3A_131 = arith.constant 0 : i32
      %dma_start3A_132 = tpu.memref_slice %arg8[%dma_start3A_130, %dma_start3A_131] : memref<80x128xf32, #tpu.memory_space<vmem>> -> memref<40x128xf32, #tpu.memory_space<vmem>>
      %dma_start3A_133 = tpu.memref_slice %arg6[%multiple_of3A_129] : memref<10000xi32, #tpu.memory_space<vmem>> -> memref<40xi32, #tpu.memory_space<vmem>>
      %dma_start3A_134 = arith.constant 0 : i32
      %dma_start3A_135 = arith.constant 0 : i32
      %dma_start3A_136 = tpu.memref_slice %arg2[%dma_start3A_134, %dma_start3A_135] : memref<10000x128xf32, #tpu.memory_space<hbm>> -> memref<10000x128xf32, #tpu.memory_space<hbm>>
      tpu.enqueue_indirect_dma source(%dma_start3A_136 : memref<10000x128xf32, #tpu.memory_space<hbm>>) target(%dma_start3A_132 : memref<40x128xf32, #tpu.memory_space<vmem>>) offsets(%dma_start3A_133 : memref<40xi32, #tpu.memory_space<vmem>>) semaphore(%arg11 : memref<!tpu.dma_semaphore, #tpu.memory_space<semaphore_mem>>)
      %mul3A_137 = arith.constant 80 : i32
      %mul3A_138 = arith.muli %add3A_124, %mul3A_137 : i32
      %add3A_139 = arith.constant 40 : i32
      %add3A_140 = arith.addi %mul3A_138, %add3A_139 : i32
      %multiple_of3A_141 = tpu.assume_multiple %add3A_140, 8 : i32
      %dma_start3A_142 = arith.constant 40 : i32
      %dma_start3A_143 = arith.constant 0 : i32
      %dma_start3A_144 = tpu.memref_slice %arg8[%dma_start3A_142, %dma_start3A_143] : memref<80x128xf32, #tpu.memory_space<vmem>> -> memref<40x128xf32, #tpu.memory_space<vmem>>
      %dma_start3A_145 = tpu.memref_slice %arg6[%multiple_of3A_141] : memref<10000xi32, #tpu.memory_space<vmem>> -> memref<40xi32, #tpu.memory_space<vmem>>
      %dma_start3A_146 = arith.constant 0 : i32
      %dma_start3A_147 = arith.constant 0 : i32
      %dma_start3A_148 = tpu.memref_slice %arg2[%dma_start3A_146, %dma_start3A_147] : memref<10000x128xf32, #tpu.memory_space<hbm>> -> memref<10000x128xf32, #tpu.memory_space<hbm>>
      tpu.enqueue_indirect_dma source(%dma_start3A_148 : memref<10000x128xf32, #tpu.memory_space<hbm>>) target(%dma_start3A_144 : memref<40x128xf32, #tpu.memory_space<vmem>>) offsets(%dma_start3A_145 : memref<40xi32, #tpu.memory_space<vmem>>) semaphore(%arg11 : memref<!tpu.dma_semaphore, #tpu.memory_space<semaphore_mem>>)
      %add3A_149 = arith.constant 1 : i32
      %add3A_150 = arith.addi %mul3A_72, %add3A_149 : i32
      %mul3A_151 = arith.constant 80 : i32
      %mul3A_152 = arith.muli %add3A_150, %mul3A_151 : i32
      %add3A_153 = arith.constant 0 : i32
      %add3A_154 = arith.addi %mul3A_152, %add3A_153 : i32
      %multiple_of3A_155 = tpu.assume_multiple %add3A_154, 8 : i32
      %dma_wait3A_156 = arith.constant 0 : i32
      %dma_wait3A_157 = arith.constant 0 : i32
      %dma_wait3A_158 = tpu.memref_slice %arg9[%dma_wait3A_156, %dma_wait3A_157] : memref<80x128xf32, #tpu.memory_space<vmem>> -> memref<40x128xf32, #tpu.memory_space<vmem>>
      %dma_wait3A_159 = tpu.memref_slice %arg6[%multiple_of3A_155] : memref<10000xi32, #tpu.memory_space<vmem>> -> memref<40xi32, #tpu.memory_space<vmem>>
      %dma_wait3A_160 = arith.constant 0 : i32
      %dma_wait3A_161 = arith.constant 0 : i32
      %dma_wait3A_162 = tpu.memref_slice %arg2[%dma_wait3A_160, %dma_wait3A_161] : memref<10000x128xf32, #tpu.memory_space<hbm>> -> memref<10000x128xf32, #tpu.memory_space<hbm>>
      tpu.wait_indirect_dma semaphore(%arg12 : memref<!tpu.dma_semaphore, #tpu.memory_space<semaphore_mem>>) src(%dma_wait3A_162 : memref<10000x128xf32, #tpu.memory_space<hbm>>) dst(%dma_wait3A_158 : memref<40x128xf32, #tpu.memory_space<vmem>>)
      %mul3A_163 = arith.constant 80 : i32
      %mul3A_164 = arith.muli %add3A_150, %mul3A_163 : i32
      %add3A_165 = arith.constant 40 : i32
      %add3A_166 = arith.addi %mul3A_164, %add3A_165 : i32
      %multiple_of3A_167 = tpu.assume_multiple %add3A_166, 8 : i32
      %dma_wait3A_168 = arith.constant 40 : i32
      %dma_wait3A_169 = arith.constant 0 : i32
      %dma_wait3A_170 = tpu.memref_slice %arg9[%dma_wait3A_168, %dma_wait3A_169] : memref<80x128xf32, #tpu.memory_space<vmem>> -> memref<40x128xf32, #tpu.memory_space<vmem>>
      %dma_wait3A_171 = tpu.memref_slice %arg6[%multiple_of3A_167] : memref<10000xi32, #tpu.memory_space<vmem>> -> memref<40xi32, #tpu.memory_space<vmem>>
      %dma_wait3A_172 = arith.constant 0 : i32
      %dma_wait3A_173 = arith.constant 0 : i32
      %dma_wait3A_174 = tpu.memref_slice %arg2[%dma_wait3A_172, %dma_wait3A_173] : memref<10000x128xf32, #tpu.memory_space<hbm>> -> memref<10000x128xf32, #tpu.memory_space<hbm>>
      tpu.wait_indirect_dma semaphore(%arg12 : memref<!tpu.dma_semaphore, #tpu.memory_space<semaphore_mem>>) src(%dma_wait3A_174 : memref<10000x128xf32, #tpu.memory_space<hbm>>) dst(%dma_wait3A_170 : memref<40x128xf32, #tpu.memory_space<vmem>>)
      %add3A_175 = arith.constant 1 : i32
      %add3A_176 = arith.addi %mul3A_72, %add3A_175 : i32
      "tpu.region"() ({
        %run_scoped3A_177 = tpu.sem_alloc : memref<!tpu.dma_semaphore, #tpu.memory_space<semaphore_mem>>
        %dma_start3A_178 = arith.constant 0 : i32
        %dma_start3A_179 = tpu.memref_slice %arg7[%add3A_176, %dma_start3A_178] : memref<125x80xi32, #tpu.memory_space<vmem>> -> memref<1x80xi32, #tpu.memory_space<vmem>>
        %dma_start3A_180 = tpu.memref_squeeze %dma_start3A_179 : memref<1x80xi32, #tpu.memory_space<vmem>> -> memref<80xi32, #tpu.memory_space<vmem>>
        %dma_start3A_181 = arith.constant 0 : i32
        %dma_start3A_182 = arith.constant 0 : i32
        %dma_start3A_183 = tpu.memref_slice %arg10[%dma_start3A_181, %dma_start3A_182] : memref<10000x128xf32, #tpu.memory_space<vmem_shared>> -> memref<10000x128xf32, #tpu.memory_space<vmem_shared>>
        tpu.enqueue_indirect_dma source(%arg9 : memref<80x128xf32, #tpu.memory_space<vmem>>) target(%dma_start3A_183 : memref<10000x128xf32, #tpu.memory_space<vmem_shared>>) offsets(%dma_start3A_180 : memref<80xi32, #tpu.memory_space<vmem>>) semaphore(%run_scoped3A_177 : memref<!tpu.dma_semaphore, #tpu.memory_space<semaphore_mem>>) {add = true}
        %dma_wait3A_184 = arith.constant 0 : i32
        %dma_wait3A_185 = tpu.memref_slice %arg7[%add3A_176, %dma_wait3A_184] : memref<125x80xi32, #tpu.memory_space<vmem>> -> memref<1x80xi32, #tpu.memory_space<vmem>>
        %dma_wait3A_186 = tpu.memref_squeeze %dma_wait3A_185 : memref<1x80xi32, #tpu.memory_space<vmem>> -> memref<80xi32, #tpu.memory_space<vmem>>
        %dma_wait3A_187 = arith.constant 0 : i32
        %dma_wait3A_188 = arith.constant 0 : i32
        %dma_wait3A_189 = tpu.memref_slice %arg10[%dma_wait3A_187, %dma_wait3A_188] : memref<10000x128xf32, #tpu.memory_space<vmem_shared>> -> memref<10000x128xf32, #tpu.memory_space<vmem_shared>>
        tpu.wait_indirect_dma semaphore(%run_scoped3A_177 : memref<!tpu.dma_semaphore, #tpu.memory_space<semaphore_mem>>) src(%arg9 : memref<80x128xf32, #tpu.memory_space<vmem>>) dst(%dma_wait3A_189 : memref<10000x128xf32, #tpu.memory_space<vmem_shared>>)
        tpu.yield
      }) : () -> ()
    }
    %scan3A_40 = arith.constant 62 : i32
    %multiple_of3A_41 = arith.constant 9920 : i32
    %multiple_of3A_42 = tpu.assume_multiple %multiple_of3A_41, 8 : i32
    %dma_wait3A = arith.constant 0 : i32
    %dma_wait3A_43 = arith.constant 0 : i32
    %dma_wait3A_44 = tpu.memref_slice %arg8[%dma_wait3A, %dma_wait3A_43] : memref<80x128xf32, #tpu.memory_space<vmem>> -> memref<40x128xf32, #tpu.memory_space<vmem>>
    %dma_wait3A_45 = tpu.memref_slice %arg6[%multiple_of3A_42] : memref<10000xi32, #tpu.memory_space<vmem>> -> memref<40xi32, #tpu.memory_space<vmem>>
    %dma_wait3A_46 = arith.constant 0 : i32
    %dma_wait3A_47 = arith.constant 0 : i32
    %dma_wait3A_48 = tpu.memref_slice %arg2[%dma_wait3A_46, %dma_wait3A_47] : memref<10000x128xf32, #tpu.memory_space<hbm>> -> memref<10000x128xf32, #tpu.memory_space<hbm>>
    tpu.wait_indirect_dma semaphore(%arg11 : memref<!tpu.dma_semaphore, #tpu.memory_space<semaphore_mem>>) src(%dma_wait3A_48 : memref<10000x128xf32, #tpu.memory_space<hbm>>) dst(%dma_wait3A_44 : memref<40x128xf32, #tpu.memory_space<vmem>>)
    %multiple_of3A_49 = arith.constant 9960 : i32
    %multiple_of3A_50 = tpu.assume_multiple %multiple_of3A_49, 8 : i32
    %dma_wait3A_51 = arith.constant 40 : i32
    %dma_wait3A_52 = arith.constant 0 : i32
    %dma_wait3A_53 = tpu.memref_slice %arg8[%dma_wait3A_51, %dma_wait3A_52] : memref<80x128xf32, #tpu.memory_space<vmem>> -> memref<40x128xf32, #tpu.memory_space<vmem>>
    %dma_wait3A_54 = tpu.memref_slice %arg6[%multiple_of3A_50] : memref<10000xi32, #tpu.memory_space<vmem>> -> memref<40xi32, #tpu.memory_space<vmem>>
    %dma_wait3A_55 = arith.constant 0 : i32
    %dma_wait3A_56 = arith.constant 0 : i32
    %dma_wait3A_57 = tpu.memref_slice %arg2[%dma_wait3A_55, %dma_wait3A_56] : memref<10000x128xf32, #tpu.memory_space<hbm>> -> memref<10000x128xf32, #tpu.memory_space<hbm>>
    tpu.wait_indirect_dma semaphore(%arg11 : memref<!tpu.dma_semaphore, #tpu.memory_space<semaphore_mem>>) src(%dma_wait3A_57 : memref<10000x128xf32, #tpu.memory_space<hbm>>) dst(%dma_wait3A_53 : memref<40x128xf32, #tpu.memory_space<vmem>>)
    %run_scoped3A_58 = arith.constant 124 : i32
    "tpu.region"() ({
      %run_scoped3A_70 = tpu.sem_alloc : memref<!tpu.dma_semaphore, #tpu.memory_space<semaphore_mem>>
      %dma_start3A_71 = arith.constant 0 : i32
      %dma_start3A_72 = tpu.memref_slice %arg7[%run_scoped3A_58, %dma_start3A_71] : memref<125x80xi32, #tpu.memory_space<vmem>> -> memref<1x80xi32, #tpu.memory_space<vmem>>
      %dma_start3A_73 = tpu.memref_squeeze %dma_start3A_72 : memref<1x80xi32, #tpu.memory_space<vmem>> -> memref<80xi32, #tpu.memory_space<vmem>>
      %dma_start3A_74 = arith.constant 0 : i32
      %dma_start3A_75 = arith.constant 0 : i32
      %dma_start3A_76 = tpu.memref_slice %arg10[%dma_start3A_74, %dma_start3A_75] : memref<10000x128xf32, #tpu.memory_space<vmem_shared>> -> memref<10000x128xf32, #tpu.memory_space<vmem_shared>>
      tpu.enqueue_indirect_dma source(%arg8 : memref<80x128xf32, #tpu.memory_space<vmem>>) target(%dma_start3A_76 : memref<10000x128xf32, #tpu.memory_space<vmem_shared>>) offsets(%dma_start3A_73 : memref<80xi32, #tpu.memory_space<vmem>>) semaphore(%run_scoped3A_70 : memref<!tpu.dma_semaphore, #tpu.memory_space<semaphore_mem>>) {add = true}
      %dma_wait3A_77 = arith.constant 0 : i32
      %dma_wait3A_78 = tpu.memref_slice %arg7[%run_scoped3A_58, %dma_wait3A_77] : memref<125x80xi32, #tpu.memory_space<vmem>> -> memref<1x80xi32, #tpu.memory_space<vmem>>
      %dma_wait3A_79 = tpu.memref_squeeze %dma_wait3A_78 : memref<1x80xi32, #tpu.memory_space<vmem>> -> memref<80xi32, #tpu.memory_space<vmem>>
      %dma_wait3A_80 = arith.constant 0 : i32
      %dma_wait3A_81 = arith.constant 0 : i32
      %dma_wait3A_82 = tpu.memref_slice %arg10[%dma_wait3A_80, %dma_wait3A_81] : memref<10000x128xf32, #tpu.memory_space<vmem_shared>> -> memref<10000x128xf32, #tpu.memory_space<vmem_shared>>
      tpu.wait_indirect_dma semaphore(%run_scoped3A_70 : memref<!tpu.dma_semaphore, #tpu.memory_space<semaphore_mem>>) src(%arg8 : memref<80x128xf32, #tpu.memory_space<vmem>>) dst(%dma_wait3A_82 : memref<10000x128xf32, #tpu.memory_space<vmem_shared>>)
      tpu.yield
    }) : () -> ()
    %barrier3A_59 = arith.constant 0 : index
    tpu.barrier barrier_id(%barrier3A_59)
    %lt3A_60 = arith.constant 15 : i32
    %lt3A_61 = arith.cmpi slt, %arg1, %lt3A_60 : i32
    %convert_element_type3A_62 = arith.extui %lt3A_61 : i1 to i32
    %cond3A_63 = arith.constant 0 : i32
    %cond3A_64 = arith.cmpi ne, %convert_element_type3A_62, %cond3A_63 : i32
    scf.if %cond3A_64 {
      "tpu.region"() ({
        %run_scoped3A_70 = tpu.sem_alloc : memref<!tpu.dma_semaphore, #tpu.memory_space<semaphore_mem>>
        %dma_start3A_71 = arith.constant 0 : i32
        %dma_start3A_72 = tpu.memref_slice %arg5[%arg0, %multiple_of3A_28, %dma_start3A_71] : memref<2x10000x128xf32, #tpu.memory_space<hbm>> -> memref<1x640x128xf32, #tpu.memory_space<hbm>>
        %dma_start3A_73 = tpu.memref_squeeze %dma_start3A_72 : memref<1x640x128xf32, #tpu.memory_space<hbm>> -> memref<640x128xf32, #tpu.memory_space<hbm>>
        %dma_start3A_74 = arith.constant 0 : i32
        %dma_start3A_75 = tpu.memref_slice %arg10[%multiple_of3A_28, %dma_start3A_74] : memref<10000x128xf32, #tpu.memory_space<vmem_shared>> -> memref<640x128xf32, #tpu.memory_space<vmem_shared>>
        tpu.enqueue_dma source(%dma_start3A_75 : memref<640x128xf32, #tpu.memory_space<vmem_shared>>) target(%dma_start3A_73 : memref<640x128xf32, #tpu.memory_space<hbm>>) target_semaphore(%run_scoped3A_70 : memref<!tpu.dma_semaphore, #tpu.memory_space<semaphore_mem>>)
        %dma_wait3A_76 = arith.constant 0 : i32
        %dma_wait3A_77 = tpu.memref_slice %arg5[%arg0, %multiple_of3A_28, %dma_wait3A_76] : memref<2x10000x128xf32, #tpu.memory_space<hbm>> -> memref<1x640x128xf32, #tpu.memory_space<hbm>>
        %dma_wait3A_78 = tpu.memref_squeeze %dma_wait3A_77 : memref<1x640x128xf32, #tpu.memory_space<hbm>> -> memref<640x128xf32, #tpu.memory_space<hbm>>
        %dma_wait3A_79 = arith.constant 0 : i32
        %dma_wait3A_80 = tpu.memref_slice %arg10[%multiple_of3A_28, %dma_wait3A_79] : memref<10000x128xf32, #tpu.memory_space<vmem_shared>> -> memref<640x128xf32, #tpu.memory_space<vmem_shared>>
        tpu.wait_dma2 semaphore(%run_scoped3A_70 : memref<!tpu.dma_semaphore, #tpu.memory_space<semaphore_mem>>) src(%dma_wait3A_80 : memref<640x128xf32, #tpu.memory_space<vmem_shared>>) dst(%dma_wait3A_78 : memref<640x128xf32, #tpu.memory_space<hbm>>)
        tpu.yield
      }) : () -> ()
    } else {
    }
    %eq3A_65 = arith.constant 15 : i32
    %eq3A_66 = arith.cmpi eq, %arg1, %eq3A_65 : i32
    %convert_element_type3A_67 = arith.extui %eq3A_66 : i1 to i32
    %cond3A_68 = arith.constant 0 : i32
    %cond3A_69 = arith.cmpi ne, %convert_element_type3A_67, %cond3A_68 : i32
    scf.if %cond3A_69 {
      "tpu.region"() ({
        %run_scoped3A_70 = tpu.sem_alloc : memref<!tpu.dma_semaphore, #tpu.memory_space<semaphore_mem>>
        %dma_start3A_71 = arith.constant 9600 : i32
        %dma_start3A_72 = arith.constant 0 : i32
        %dma_start3A_73 = tpu.memref_slice %arg5[%arg0, %dma_start3A_71, %dma_start3A_72] : memref<2x10000x128xf32, #tpu.memory_space<hbm>> -> memref<1x400x128xf32, #tpu.memory_space<hbm>>
        %dma_start3A_74 = tpu.memref_squeeze %dma_start3A_73 : memref<1x400x128xf32, #tpu.memory_space<hbm>> -> memref<400x128xf32, #tpu.memory_space<hbm>>
        %dma_start3A_75 = arith.constant 9600 : i32
        %dma_start3A_76 = arith.constant 0 : i32
        %dma_start3A_77 = tpu.memref_slice %arg10[%dma_start3A_75, %dma_start3A_76] : memref<10000x128xf32, #tpu.memory_space<vmem_shared>> -> memref<400x128xf32, #tpu.memory_space<vmem_shared>>
        tpu.enqueue_dma source(%dma_start3A_77 : memref<400x128xf32, #tpu.memory_space<vmem_shared>>) target(%dma_start3A_74 : memref<400x128xf32, #tpu.memory_space<hbm>>) target_semaphore(%run_scoped3A_70 : memref<!tpu.dma_semaphore, #tpu.memory_space<semaphore_mem>>)
        %dma_wait3A_78 = arith.constant 9600 : i32
        %dma_wait3A_79 = arith.constant 0 : i32
        %dma_wait3A_80 = tpu.memref_slice %arg5[%arg0, %dma_wait3A_78, %dma_wait3A_79] : memref<2x10000x128xf32, #tpu.memory_space<hbm>> -> memref<1x400x128xf32, #tpu.memory_space<hbm>>
        %dma_wait3A_81 = tpu.memref_squeeze %dma_wait3A_80 : memref<1x400x128xf32, #tpu.memory_space<hbm>> -> memref<400x128xf32, #tpu.memory_space<hbm>>
        %dma_wait3A_82 = arith.constant 9600 : i32
        %dma_wait3A_83 = arith.constant 0 : i32
        %dma_wait3A_84 = tpu.memref_slice %arg10[%dma_wait3A_82, %dma_wait3A_83] : memref<10000x128xf32, #tpu.memory_space<vmem_shared>> -> memref<400x128xf32, #tpu.memory_space<vmem_shared>>
        tpu.wait_dma2 semaphore(%run_scoped3A_70 : memref<!tpu.dma_semaphore, #tpu.memory_space<semaphore_mem>>) src(%dma_wait3A_84 : memref<400x128xf32, #tpu.memory_space<vmem_shared>>) dst(%dma_wait3A_81 : memref<400x128xf32, #tpu.memory_space<hbm>>)
        tpu.yield
      }) : () -> ()
    } else {
    }
    return
  }
}

module attributes {stable_mosaic.version = 14 : i64} {
  func.func @_mlp_body(%arg0: i32, %arg1: memref<1000x128xf32, #tpu.memory_space<vmem>>, %arg2: memref<1x1000x128xf32, #tpu.memory_space<vmem>>, %arg3: memref<1x1000x128xf32, #tpu.memory_space<vmem>>, %arg4: memref<128x128xf32, #tpu.memory_space<vmem>>, %arg5: memref<1x128xf32, #tpu.memory_space<vmem>>, %arg6: memref<128x128xf32, #tpu.memory_space<vmem>>, %arg7: memref<1x128xf32, #tpu.memory_space<vmem>>, %arg8: memref<1000x128xf32, #tpu.memory_space<vmem>>) attributes {dimension_semantics = [#tpu.dimension_semantics<arbitrary>], iteration_bounds = array<i64: 10>, scalar_prefetch = 0 : i64, scratch_operands = 0 : i64, tpu.core_type = #tpu.core_type<tc>, window_params = [{transform_indices = @transform_0, window_bounds = array<i64: 1000, 128>}, {transform_indices = @transform_1, window_bounds = array<i64: 1, 1000, 128>}, {transform_indices = @transform_2, window_bounds = array<i64: 1, 1000, 128>}, {pipeline_mode = #tpu.pipeline_mode<synchronous>, transform_indices = @transform_3, window_bounds = array<i64: 128, 128>}, {pipeline_mode = #tpu.pipeline_mode<synchronous>, transform_indices = @transform_4, window_bounds = array<i64: 1, 128>}, {pipeline_mode = #tpu.pipeline_mode<synchronous>, transform_indices = @transform_5, window_bounds = array<i64: 128, 128>}, {pipeline_mode = #tpu.pipeline_mode<synchronous>, transform_indices = @transform_6, window_bounds = array<i64: 1, 128>}, {transform_indices = @transform_7, window_bounds = array<i64: 1000, 128>}]} {
    %get3A = arith.constant 0 : index
    %get3A_0 = arith.constant 0 : index
    %get3A_1 = vector.load %arg1[%get3A, %get3A_0] : memref<1000x128xf32, #tpu.memory_space<vmem>>, vector<1000x128xf32>
    %mul3A = arith.constant 1.001000e+00 : f32
    %mul3A_2 = vector.broadcast %mul3A : f32 to vector<1000x128xf32>
    %mul3A_3 = arith.mulf %mul3A_2, %get3A_1 : vector<1000x128xf32>
    %get3A_4 = arith.constant 0 : index
    %get3A_5 = arith.constant 0 : index
    %get3A_6 = arith.constant 0 : index
    %get3A_7 = vector.load %arg2[%get3A_4, %get3A_5, %get3A_6] : memref<1x1000x128xf32, #tpu.memory_space<vmem>>, vector<1x1000x128xf32>
    %get3A_8 = vector.shape_cast %get3A_7 : vector<1x1000x128xf32> to vector<1000x128xf32>
    %add3A = arith.addf %mul3A_3, %get3A_8 : vector<1000x128xf32>
    %get3A_9 = arith.constant 0 : index
    %get3A_10 = arith.constant 0 : index
    %get3A_11 = arith.constant 0 : index
    %get3A_12 = vector.load %arg3[%get3A_9, %get3A_10, %get3A_11] : memref<1x1000x128xf32, #tpu.memory_space<vmem>>, vector<1x1000x128xf32>
    %get3A_13 = vector.shape_cast %get3A_12 : vector<1x1000x128xf32> to vector<1000x128xf32>
    %add3A_14 = arith.addf %add3A, %get3A_13 : vector<1000x128xf32>
    %get3A_15 = arith.constant 0 : index
    %get3A_16 = arith.constant 0 : index
    %get3A_17 = vector.load %arg4[%get3A_15, %get3A_16] : memref<128x128xf32, #tpu.memory_space<vmem>>, vector<128x128xf32>
    %dot_general3A = arith.constant dense<0.000000e+00> : vector<1000x128xf32>
    %dot_general3A_18 = tpu.matmul %add3A_14, %get3A_17, %dot_general3A {dimension_numbers = #tpu.dot_dimension_numbers<[1], [0], [0], [1], [0, 0, 1, 1], [], []>, transpose_lhs_hint = false} : vector<1000x128xf32>, vector<128x128xf32>, vector<1000x128xf32> -> vector<1000x128xf32>
    %get3A_19 = arith.constant 0 : index
    %get3A_20 = arith.constant 0 : index
    %get3A_21 = vector.load %arg5[%get3A_19, %get3A_20] : memref<1x128xf32, #tpu.memory_space<vmem>>, vector<1x128xf32>
    %add3A_22 = vector.broadcast %get3A_21 : vector<1x128xf32> to vector<1000x128xf32>
    %add3A_23 = arith.addf %dot_general3A_18, %add3A_22 : vector<1000x128xf32>
    %max3A = arith.constant 0.000000e+00 : f32
    %max3A_24 = vector.broadcast %max3A : f32 to vector<1000x128xf32>
    %max3A_25 = arith.maximumf %add3A_23, %max3A_24 : vector<1000x128xf32>
    %get3A_26 = arith.constant 0 : index
    %get3A_27 = arith.constant 0 : index
    %get3A_28 = vector.load %arg6[%get3A_26, %get3A_27] : memref<128x128xf32, #tpu.memory_space<vmem>>, vector<128x128xf32>
    %dot_general3A_29 = arith.constant dense<0.000000e+00> : vector<1000x128xf32>
    %dot_general3A_30 = tpu.matmul %max3A_25, %get3A_28, %dot_general3A_29 {dimension_numbers = #tpu.dot_dimension_numbers<[1], [0], [0], [1], [0, 0, 1, 1], [], []>, transpose_lhs_hint = false} : vector<1000x128xf32>, vector<128x128xf32>, vector<1000x128xf32> -> vector<1000x128xf32>
    %get3A_31 = arith.constant 0 : index
    %get3A_32 = arith.constant 0 : index
    %get3A_33 = vector.load %arg7[%get3A_31, %get3A_32] : memref<1x128xf32, #tpu.memory_space<vmem>>, vector<1x128xf32>
    %add3A_34 = vector.broadcast %get3A_33 : vector<1x128xf32> to vector<1000x128xf32>
    %add3A_35 = arith.addf %dot_general3A_30, %add3A_34 : vector<1000x128xf32>
    %swap3A = arith.constant 0 : index
    %swap3A_36 = arith.constant 0 : index
    %swap3A_37 = vector.load %arg8[%swap3A, %swap3A_36] : memref<1000x128xf32, #tpu.memory_space<vmem>>, vector<1000x128xf32>
    tpu.vector_store %arg8[%swap3A, %swap3A_36], %add3A_35 {strides = array<i32>} : memref<1000x128xf32, #tpu.memory_space<vmem>>, vector<1000x128xf32>,
    return
  }
  func.func @transform_0(%arg0: i32) -> (i32, i32) {
    %c0_i32 = arith.constant 0 : i32
    %c0_i32_0 = arith.constant 0 : i32
    return %arg0, %c0_i32 : i32, i32
  }
  func.func @transform_1(%arg0: i32) -> (i32, i32, i32) {
    %c0_i32 = arith.constant 0 : i32
    %c0_i32_0 = arith.constant 0 : i32
    %c0_i32_1 = arith.constant 0 : i32
    return %c0_i32, %arg0, %c0_i32_0 : i32, i32, i32
  }
  func.func @transform_2(%arg0: i32) -> (i32, i32, i32) {
    %c1_i32 = arith.constant 1 : i32
    %c0_i32 = arith.constant 0 : i32
    %c0_i32_0 = arith.constant 0 : i32
    return %c1_i32, %arg0, %c0_i32 : i32, i32, i32
  }
  func.func @transform_3(%arg0: i32) -> (i32, i32) {
    %c0_i32 = arith.constant 0 : i32
    %c0_i32_0 = arith.constant 0 : i32
    %c0_i32_1 = arith.constant 0 : i32
    return %c0_i32, %c0_i32_0 : i32, i32
  }
  func.func @transform_4(%arg0: i32) -> (i32, i32) {
    %c0_i32 = arith.constant 0 : i32
    %c0_i32_0 = arith.constant 0 : i32
    %c0_i32_1 = arith.constant 0 : i32
    return %c0_i32, %c0_i32_0 : i32, i32
  }
  func.func @transform_5(%arg0: i32) -> (i32, i32) {
    %c0_i32 = arith.constant 0 : i32
    %c0_i32_0 = arith.constant 0 : i32
    %c0_i32_1 = arith.constant 0 : i32
    return %c0_i32, %c0_i32_0 : i32, i32
  }
  func.func @transform_6(%arg0: i32) -> (i32, i32) {
    %c0_i32 = arith.constant 0 : i32
    %c0_i32_0 = arith.constant 0 : i32
    %c0_i32_1 = arith.constant 0 : i32
    return %c0_i32, %c0_i32_0 : i32, i32
  }
  func.func @transform_7(%arg0: i32) -> (i32, i32) {
    %c0_i32 = arith.constant 0 : i32
    %c0_i32_0 = arith.constant 0 : i32
    return %arg0, %c0_i32 : i32, i32
  }
}

</mosaic_0001>

<sc_bundles>
// kernel: kernel.4.cloned.1.call-start
scs
__scs_entry_jumppad:
0x0: {  	(pc) =	sbr.rel $0x88, $3  }
0x1: {  	(tag) =	ssettag $0x0;
	lr =	simm.s32 $0x1  }
0x2: {  	[smem:$0x3F9B] =	sst lr;
	_ =	strace $0xD0000000  }
0x3: {  	_ = 	snop  }
0x4: {  	_ = 	snop  }
0x5: {  	_ = 	snop  }
0x6: {  	_ = 	snop  }
0x7: {  	_ = 	snop  }
__scs_overlays_trampoline_lowered:
0x8: {  	[smem:$0x3FAA] =	sst s0  }
0x9: {  	[smem:$0x3FAB] =	sst s1  }
0xa: {  	[smem:$0x3FAC] =	sst s2  }
0xb: {  	[smem:$0x3FAD] =	sst s3  }
0xc: {  	[smem:$0x3FAE] =	sst s4  }
0xd: {  	[smem:$0x3FAF] =	sst s5  }
0xe: {  	[smem:$0x3FB0] =	sst s6  }
0xf: {  	[smem:$0x3FB1] =	sst s7  }
0x10: {  	[smem:$0x3FB2] =	sst s8  }
0x11: {  	[smem:$0x3FB3] =	sst s9;
	s0 =	simm.s32 @!p0 $0x0  }
0x12: {  	s1 =	sld [smem:$0x3F99];
	s0 =	simm.s32 @p0 $0x1  }
0x13: {  	[smem:$0x3FB4] =	sst s0;
	s0 =	simm.s32 @!p1 $0x0  }
0x14: {  	s2 =	sld [smem:$0x3F98];
	s0 =	simm.s32 @p1 $0x1  }
0x15: {  	[smem:$0x3FB5] =	sst s0;
	s0 =	simm.s32 @!p2 $0x0  }
0x16: {  	s3 =	sld [smem:$0x3FDB];
	s0 =	simm.s32 @p2 $0x1  }
0x17: {  	s4 =	simm.s32 $0x1BF5;
	[smem:$0x3FB7] =	sst s0  }
0x18: {  	s0 =	sld [smem:$0x3F9A];
	_ =	swait.ge [sflag:s4], $0x0  }
0x19: {  	s7 =	sld [smem:$0x3F9B]  }
0x1a: {  	s8 =	sadd.s32 $0xFFFFE003, lr  }
0x1b: {  	s9 =	sadd.s32 $0xFFFFFEF7, lr;
	s5 =	simm.s32 $0xFFFFFFFF;
	p2 =	slt.u32 s8, $0xFFFFF086  }
0x1c: {  	p1 =	slt.u32 s9, $0xF7A;
	s5 =	simm.s32 @!p2 $0x0  }
0x1d: {  	s5 =	simm.s32 @p1 $0x1;
	p0 =	seq.s32 s7, s2  }
0x1e: {  	s7 =	smul.u32 @!p0 $0xF7A, s2;
	p2 =	seq.s32 @!p0 s5, $0x0  }
0x1f: {  	s9 =	smul.u32 $0xF7A, s1;
	s8 =	simm.s32 @!p0 $0x1BF5;
	p2 =	por !p2, p0  }
0x20: {  	[sflag:s8] =	ssyncset.s32 @!p0 $0xFFFFF086;
	s6 =	sadd.s32 @!p0 s3, s7;
	s7 =	simm.s32 @!p0 $0x108  }
0x21: {  	s3 =	sadd.s32 s3, s9;
	s6 =	sadd.s32 @!p0 $0x88, s6;
	s7 =	simm.s32 @p2 $0x1082  }
0x22: {  	[simem:s7], [sflag:s8] =	dma.local @!p0 [hbm:s6], $0xF7A  }
0x23: {  	s9 =	sor.u32 $0xD0000000, s2;
	s6 =	simm.s32 $0x108;
	_ =	swait.ge @!p0 [sflag:s8], $0x0  }
0x24: {  	s3 =	sadd.s32 $0x88, s3;
	s6 =	simm.s32 @!p1 $0x1082;
	[sflag:s4] =	ssyncset.s32 $0xFFFFF086  }
0x25: {  	[simem:s6], [sflag:s4] =	dma.local [hbm:s3], $0xF7A  }
0x26: {  	[smem:$0x3F9B] =	sst s1;
	(tag) =	ssettag s2;
	_ =	strace s9  }
0x27: {  	s1 =	sld [smem:$0x3FAB]  }
0x28: {  	s2 =	sld [smem:$0x3FAC]  }
0x29: {  	s4 =	sld [smem:$0x3FAE]  }
0x2a: {  	p0 =	seq.s32 s5, $0x0;
	s5 =	sld [smem:$0x3FAF]  }
0x2b: {  	s6 =	sld [smem:$0x3FB0]  }
0x2c: {  	s7 =	sld [smem:$0x3FB1]  }
0x2d: {  	s3 =	simm.s32 $0x108;
	s8 =	sld [smem:$0x3FB2]  }
0x2e: {  	s3 =	simm.s32 @!p0 $0x1082;
	s9 =	sld [smem:$0x3FB3]  }
0x2f: {  	lr =	sadd.s32 s0, s3;
	s0 =	sld [smem:$0x3FAA]  }
0x30: {  	s3 =	sld [smem:$0x3FAD]  }
0x31: {  	[smem:$0x3FB6] =	sst s10  }
0x32: {  	s10 =	sld [smem:$0x3FB4];
	_ =	sdelay $0x3  }
0x33: {  	p0 =	seq.s32 s10, $0x1;
	s10 =	sld [smem:$0x3FB6];
	_ =	sdelay $0x3  }
0x34: {  	[smem:$0x3FB6] =	sst s10  }
0x35: {  	s10 =	sld [smem:$0x3FB5];
	_ =	sdelay $0x3  }
0x36: {  	p1 =	seq.s32 s10, $0x1;
	s10 =	sld [smem:$0x3FB6];
	_ =	sdelay $0x3  }
0x37: {  	[smem:$0x3FB6] =	sst s10  }
0x38: {  	s10 =	sld [smem:$0x3FB7]  }
0x39: {  	_ = 	snop;
	(pc) =	sbr.ind lr, $3  }
0x3a: {  	_ = 	snop  }
0x3b: {  	_ = 	snop  }
0x3c: {  	p2 =	seq.s32 s10, $0x1;
	s10 =	sld [smem:$0x3FB6]  }
0x3d: {  	_ =	shalt  }
0x3e: {  	_ =	shalt  }
0x3f: {  	_ =	shalt  }
0x40: {  	_ =	shalt  }
0x41: {  	_ =	shalt  }
0x42: {  	_ =	shalt  }
0x43: {  	_ =	shalt  }
0x44: {  	_ =	shalt  }
0x45: {  	_ =	shalt  }
0x46: {  	_ =	shalt  }
0x47: {  	_ =	shalt  }
0x48: {  	_ =	shalt  }
0x49: {  	_ =	shalt  }
0x4a: {  	_ =	shalt  }
0x4b: {  	_ =	shalt  }
0x4c: {  	_ =	shalt  }
0x4d: {  	_ =	shalt  }
0x4e: {  	_ =	shalt  }
0x4f: {  	_ =	shalt  }
0x50: {  	_ =	shalt  }
0x51: {  	_ =	shalt  }
0x52: {  	_ =	shalt  }
0x53: {  	_ =	shalt  }
0x54: {  	_ =	shalt  }
0x55: {  	_ =	shalt  }
0x56: {  	_ =	shalt  }
0x57: {  	_ =	shalt  }
0x58: {  	_ =	shalt  }
0x59: {  	_ =	shalt  }
0x5a: {  	_ =	shalt  }
0x5b: {  	_ =	shalt  }
0x5c: {  	_ =	shalt  }
0x5d: {  	_ =	shalt  }
0x5e: {  	_ =	shalt  }
0x5f: {  	_ =	shalt  }
0x60: {  	_ =	shalt  }
0x61: {  	_ =	shalt  }
0x62: {  	_ =	shalt  }
0x63: {  	_ =	shalt  }
0x64: {  	_ =	shalt  }
0x65: {  	_ =	shalt  }
0x66: {  	_ =	shalt  }
0x67: {  	_ =	shalt  }
0x68: {  	_ =	shalt  }
0x69: {  	_ =	shalt  }
0x6a: {  	_ =	shalt  }
0x6b: {  	_ =	shalt  }
0x6c: {  	_ =	shalt  }
0x6d: {  	_ =	shalt  }
0x6e: {  	_ =	shalt  }
0x6f: {  	_ =	shalt  }
0x70: {  	_ =	shalt  }
0x71: {  	_ =	shalt  }
0x72: {  	_ =	shalt  }
0x73: {  	_ =	shalt  }
0x74: {  	_ =	shalt  }
0x75: {  	_ =	shalt  }
0x76: {  	_ =	shalt  }
0x77: {  	_ =	shalt  }
0x78: {  	_ =	shalt  }
0x79: {  	_ =	shalt  }
0x7a: {  	_ =	shalt  }
0x7b: {  	_ =	shalt  }
0x7c: {  	_ =	shalt  }
0x7d: {  	_ =	shalt  }
0x7e: {  	_ =	shalt  }
0x7f: {  	_ =	shalt  }
0x80: {  	_ =	shalt  }
0x81: {  	_ =	shalt  }
0x82: {  	_ =	shalt  }
0x83: {  	_ =	shalt  }
0x84: {  	_ =	shalt  }
0x85: {  	_ =	shalt  }
0x86: {  	_ =	shalt  }
0x87: {  	_ =	shalt  }
.Lfunc_end0:
.L_simem_size_0:
called_computation_lowered:
.L_overlay_start_0:
0x88: {  	s2 =	sld [smem:$0x3FD9]  }
0x89: {  	s3 =	sld [smem:$0x3FFE];
	_ =	sdelay $0x1  }
0x8a: {  	s1 =	srdreg.scid  }
0x8b: {  	s0 =	sand.u32 $0x1, s1  }
0x8c: {  	s17 =	sshll.u32 s0, $0xA;
	s2 =	sadd.s32 s3, s2  }
0x8d: {  	s2 =	sadd.s32 s2, s17  }
0x8e: {  	[smem:$0x3FC2] =	sst s2  }
0x8f: {  	_ = 	snop  }
0x90: {  	s2 =	sld [smem:$0x3FC9]  }
0x91: {  	s18 =	sld [smem:$0x3FD0];
	(tm) =	ssettm $0x1  }
0x92: {  	s4 =	sld [smem:$0x3FFB];
	_ =	sdelay $0x3  }
0x93: {  	_ =	strace s4  }
0x94: {  	s4 =	sld [smem:$0x3FFC];
	_ =	sdelay $0x3  }
0x95: {  	_ =	strace s4  }
0x96: {  	s4 =	sld [smem:$0x3FFD];
	_ =	sdelay $0x3  }
0x97: {  	_ =	strace s4  }
0x98: {  	_ =	strace $0x8FFFFFFF  }
0x99: {  	s19 =	sld [smem:$0x3FDB];
	_ =	sdelay $0x1  }
0x9a: {  	s5 =	simm.s32 $_scs_section_size  }
0x9b: {  	s6 =	simm.s32 $_size__tile_overlayer_lowered;
	s7 =	simm.s32 $_tile_overlayer_lowered  }
0x9c: {  	s22 =	simm.s32 $0x1BFF;
	s21 =	sshll.u32 s7, $0x1;
	s4 =	sadd.s32 s5, s19  }
0x9d: {  	s8 =	simm.s32 $0x0;
	s20 =	sshll.u32 s6, $0x1;
	s6 =	sadd.s32 s21, s4  }
0x9e: {  	[timem:s8], [sflag:s22] =	dma.local [hbm:s6], s20  }
0x9f: {  	_ =	swait.ge [sflag:s22], s20  }
0xa0: {  	s5 =	ssub.s32 $0x0, s20;
	[sflag:s22] =	ssyncset.done $0x0  }
0xa1: {  	[sflag:s22] =	ssyncadd.s32 s5;
	_ =	sdelay $0x1  }
0xa2: {  	s23 =	simm.s32 $0x1B8B  }
0xa3: {  	_ =	swait.ge [sflag:s23], $0x1  }
0xa4: {  	[sflag:s23] =	ssyncset.done $0x0  }
0xa5: {  	s25 =	simm.s32 $0x1B8E;
	s24 =	sld [smem:$0x3FFE];
	[sflag:s23] =	ssyncadd.s32 $0xFFFFFFFF  }
0xa6: {  	s26 =	simm.s32 $execute0_lowered;
	[smem:$0x3FD2] =	sst s25  }
0xa7: {  	s6 =	sshll.u32 s26, $0x1;
	_ =	strace $0x80000046;
	[dreg:$0x1] =	wrdreg $0xFFFFFFFF  }
0xa8: {  	s28 =	simm.s32 $_size_execute0_lowered;
	s4 =	sadd.s32 s4, s6;
	[dreg:$0x0] =	wrdreg $0x0  }
0xa9: {  	s6 =	sshll.u32 s28, $0x1;
	[dreg:$0x2] =	wrdreg s4  }
0xaa: {  	[dreg:$0x3] =	wrdreg s6  }
0xab: {  	[dreg:$0x4] =	wrdreg $0xC0  }
0xac: {  	_ =	task [dreg:s8], $0x5FFFF  }
0xad: {  	[dreg:$0x1] =	wrdreg $0xFFFFFFFF  }
0xae: {  	[dreg:$0x0] =	wrdreg $0x60  }
0xaf: {  	[dreg:$0x2] =	wrdreg s2  }
0xb0: {  	[dreg:$0x3] =	wrdreg s24  }
0xb1: {  	[dreg:$0x4] =	wrdreg s18  }
0xb2: {  	[dreg:$0x5] =	wrdreg $0xB7800  }
0xb3: {  	[dreg:$0x6] =	wrdreg $0x9  }
0xb4: {  	_ =	task.clear_ibuf [dreg:s8], $0x7FFFF;
	_ =	strace $0x90000046  }
0xb5: {  	s29 =	simm.s32 $0x9;
	_ =	strace $0x80000048  }
0xb6: {  	_ =	swait.ge [sflag:s29], $0x1  }
0xb7: {  	[sflag:s29] =	ssyncadd.s32 $0xFFFFFFFF  }
0xb8: {  	_ =	strace $0x90000048  }
0xb9: {  	_ =	sfence  }
0xba: {  	s30 =	sld [smem:$0x0];
	_ =	sdelay $0x2  }
0xbb: {  	s31 =	sshll.u32 s1, $0xD;
	s1 =	sshrl.u32 s1, $0x2  }
0xbc: {  	s3 =	sand.u32 $0x4000, s31;
	s1 =	sadd.s32 s1, s30  }
0xbd: {  	s0 =	sor.u32 s3, s0;
	s1 =	sshll.u32 s1, $0x11  }
0xbe: {  	s0 =	sor.u32 s1, s0  }
0xbf: {  	s0 =	sadd.s32 $0x8F2B, s0  }
0xc0: {  	[sflag:s0] =	ssyncadd.remote.s32 $0x1  }
0xc1: {  	_ =	sfence.sel $0xFFFF  }
0xc2: {  	[dreg:$0x0] =	wrdreg $0xFFFFFFFF;
	(pc) =	sbr.abs _section_cstart, $3  }
0xc3: {  	[dreg:$0x1] =	wrdreg $0xFFFFFFFF  }
0xc4: {  	_ =	task.clear_ibuf [dreg:s8], $0x2FFFF;
	_ =	strace $0x9FFFFFFF  }
0xc5: {  	(tm) =	ssettm $0x7FFFFFFF  }
tec
execute0_lowered:
.L_overlay_start_1:
0x0: {  	(tag) =	ssettag $0x1  }
0x1: {  	s0 =	rddreg [dreg:$0x0]  }
0x2: {  	s1 =	rddreg [dreg:$0x1]  }
0x3: {  	s2 =	srdreg.scid;
	s5 =	rddreg [dreg:$0x2]  }
0x4: {  	s3 =	rddreg [dreg:$0x3];
	s21 =	stileid.u32;
	s4 =	simm.s32 $0x0  }
0x5: {  	s19 =	simm.s32 $0x3;
	s22 =	simm.s32 $0x6780;
	s28 =	simm.s32 $0x50  }
0x6: {  	s29 =	simm.s32 $0x2;
	s31 =	simm.s32 $0x0;
	s9 =	smul.u32 $0x50000, s21  }
0x7: {  	s2 =	sand.u32 $0x1, s2;
	[smem:$0x7FF] =	sst s4;
	s16 =	smul.u32 $0x14000, s21  }
0x8: {  	s15 =	sadd.s32 $0x12C000, s3;
	s20 =	sadd.s32 $0x12E800, s3;
	s23 =	sadd.s32 $0x131000, s3  }
0x9: {  	s24 =	sadd.s32 $0x133800, s3;
	p0 =	seq.s32 s21, $0xF;
	s6 =	sshll.u32 s2, $0x4  }
0xa: {  	_ =	strace $0x80000047;
	s8 =	ssub.s32 $0x2, s2;
	s2 =	smul.u32 $0x138800, s2  }
0xb: {  	s6 =	sor.u32 s21, s6;
	s10 =	sshrl.u32 s8, $0x1;
	s25 =	sshrl.u32 s9, $0x2  }
0xc: {  	s21 =	simm.s32 $0x28;
	s7 =	smul.u32 $0x4E2, s6;
	s6 =	sshll.u32 s6, $0xB  }
0xd: {  	s18 =	ssub.s32 s8, s10;
	s16 =	sadd.s32 s16, s2;
	s2 =	sshrl.u32 s2, $0x3  }
0xe: {  	s6 =	sadd.s32 s6, s5;
	s16 =	sshrl.u32 s16, $0x3;
	s18 =	smax.u32 s18, $0x1  }
0xf: {  	s7 =	sadd.s32 s7, s1;
	s1 =	sadd.s32 $0x15200, s1;
	s30 =	sadd.s32 $0x10000, s6  }
0x10: {  	s26 =	sadd.s32 $0x1800, s7;
	[dreg:$0x6] =	wrdreg s30;
	s7 =	sadd.s32 s25, s3  }
0x11: {  	s25 =	sadd.s32 $0x136000, s3;
	s2 =	sadd.s32 s1, s2;
	s16 =	sadd.s32 s1, s16  }
0x12: {  	[dreg:$0x5] =	wrdreg s26;
	s8 =	sadd.s32 $0x2800, s7;
	s9 =	sadd.s32 $0x5000, s7  }
0x13: {  	s10 =	sadd.s32 $0x7800, s7;
	s11 =	sadd.s32 $0xA000, s7;
	s12 =	sadd.s32 $0xC800, s7  }
0x14: {  	s13 =	sadd.s32 $0xF000, s7;
	s14 =	sadd.s32 $0x11800, s7;
	s17 =	sadd.s32 $0x25800, s2  }
0x15: {  	s26 =	simm.s32 $0x1;
	s11 =	smov.u32 @p0 s20;
	s12 =	smov.u32 @p0 s23  }
0x16: {  	s23 =	simm.s32 $0x7B80;
	s10 =	smov.u32 @p0 s15;
	s13 =	smov.u32 @p0 s24  }
0x17: {  	v0 =	vimm.f32 $0.0e+00;
	s14 =	smov.u32 @p0 s25;
	s24 =	simm.s32 $0x8F80;
	s25 =	simm.s32 $0xA380  }
.LBB2_1:
0x18: {  	s1 =	rddreg [dreg:$0x5]  }
0x19: {  	[tilespmem:s4], [sflag:$0x3] =	stream.linear.gather [hbm4b:s1+s4], $0x2710, $0x38;
	[tilespmem:$0x1F000] =	vst v63  }
0x1a: {  	_ =	swait.ge [sflag:s19], $0x2710  }
0x1b: {  	[sflag:s19] =	ssyncset.done $0x0  }
0x1c: {  	s2 =	simm.s32 $0x2780;
	s30 =	rddreg [dreg:$0x6];
	[sflag:s19] =	ssyncadd.s32 $0xFFFFD8F0  }
0x1d: {  	[tilespmem:s2], [sflag:$0x3] =	stream.linear.gather [hbm4b:s30+s4], $0x3E80, $0x38;
	[tilespmem:$0x1F000] =	vst v63  }
0x1e: {  	_ =	swait.ge [sflag:s19], $0x3E80  }
0x1f: {  	[sflag:s19] =	ssyncset.done $0x0  }
0x20: {  	[sflag:s19] =	ssyncadd.s32 $0xFFFFC180  }
0x21: {  	[tilespmem:s22], [sflag:$0x1] =	stream.indirect.gather [hbm4b:s0+s21], $0x80, s4, s21, $0xb8;
	[tilespmem:$0x1F000] =	vst v63  }
0x22: {  	s1 =	simm.s32 $0x0;
	s2 =	simm.s32 $0x200  }
0x23: {  	[tilespmem:s23], [sflag:$0x1] =	stream.indirect.gather [hbm4b:s0+s21], $0x80, s21, s21, $0xb8;
	[tilespmem:$0x1F000] =	vst v63  }
.LBB2_2:
0x24: {  	p1 =	sne.s32 s2, $0x9E00;
	[tilespmem:s1+$0x8FF0] =	vst v0  }
0x25: {  	[tilespmem:s1+$0x8F80] =	vst v0  }
0x26: {  	[tilespmem:s1+$0x8F90] =	vst v0  }
.Ltmp0:
0x27: {  	[tilespmem:s1+$0x8FA0] =	vst v0;
	(pc) =	sbr.rel @p1 .LBB2_2-.Ltmp0, $4  }
0x28: {  	[tilespmem:s1+$0x8FB0] =	vst v0  }
0x29: {  	[tilespmem:s1+$0x8FC0] =	vst v0  }
0x2a: {  	[tilespmem:s1+$0x8FD0] =	vst v0  }
0x2b: {  	[tilespmem:s1+$0x8FE0] =	vst v0;
	s1 =	sshra.s32 s2, $0x2;
	s2 =	sadd.s32 $0x200, s2  }
0x2c: {  	[tilespmem:s1+$0x8FF0] =	vst v0  }
0x2d: {  	[tilespmem:s1+$0x8F80] =	vst v0  }
0x2e: {  	[tilespmem:s1+$0x8F90] =	vst v0  }
0x2f: {  	[tilespmem:s1+$0x8FA0] =	vst v0  }
0x30: {  	[tilespmem:s1+$0x8FB0] =	vst v0  }
0x31: {  	[tilespmem:s1+$0x8FC0] =	vst v0  }
0x32: {  	[tilespmem:s1+$0x8FD0] =	vst v0  }
0x33: {  	[tilespmem:s1+$0x8FE0] =	vst v0;
	s1 =	simm.s32 @!p0 $0x8F80;
	s2 =	simm.s32 @!p0 $0x3  }
0x34: {  	[spmem:s7] =	stream.linear.scatter @!p0 [tilespmem:s1], [sflag:$0x3], $0x2800, $0x38;
	[tilespmem:$0x1F000] =	vst v63  }
0x35: {  	_ =	swait.ge @!p0 [sflag:s2], $0x2800  }
0x36: {  	[sflag:s2] =	ssyncset.done @!p0 $0x0  }
0x37: {  	[sflag:s2] =	ssyncadd.s32 @!p0 $0xFFFFD800  }
0x38: {  	[spmem:s8] =	stream.linear.scatter @!p0 [tilespmem:s1], [sflag:$0x3], $0x2800, $0x38;
	[tilespmem:$0x1F000] =	vst v63  }
0x39: {  	_ =	swait.ge @!p0 [sflag:s2], $0x2800  }
0x3a: {  	[sflag:s2] =	ssyncset.done @!p0 $0x0  }
0x3b: {  	[sflag:s2] =	ssyncadd.s32 @!p0 $0xFFFFD800  }
0x3c: {  	[spmem:s9] =	stream.linear.scatter @!p0 [tilespmem:s1], [sflag:$0x3], $0x2800, $0x38;
	[tilespmem:$0x1F000] =	vst v63  }
0x3d: {  	_ =	swait.ge @!p0 [sflag:s2], $0x2800  }
0x3e: {  	[sflag:s2] =	ssyncset.done @!p0 $0x0  }
0x3f: {  	[sflag:s2] =	ssyncadd.s32 @!p0 $0xFFFFD800  }
0x40: {  	[spmem:s10] =	stream.linear.scatter [tilespmem:s24], [sflag:$0x3], $0x2800, $0x38;
	[tilespmem:$0x1F000] =	vst v63  }
0x41: {  	_ =	swait.ge [sflag:s19], $0x2800  }
0x42: {  	[sflag:s19] =	ssyncset.done $0x0  }
0x43: {  	[sflag:s19] =	ssyncadd.s32 $0xFFFFD800  }
0x44: {  	[spmem:s11] =	stream.linear.scatter [tilespmem:s24], [sflag:$0x3], $0x2800, $0x38;
	[tilespmem:$0x1F000] =	vst v63  }
0x45: {  	_ =	swait.ge [sflag:s19], $0x2800  }
0x46: {  	[sflag:s19] =	ssyncset.done $0x0  }
0x47: {  	[sflag:s19] =	ssyncadd.s32 $0xFFFFD800  }
0x48: {  	[spmem:s12] =	stream.linear.scatter [tilespmem:s24], [sflag:$0x3], $0x2800, $0x38;
	[tilespmem:$0x1F000] =	vst v63  }
0x49: {  	_ =	swait.ge [sflag:s19], $0x2800  }
0x4a: {  	[sflag:s19] =	ssyncset.done $0x0  }
0x4b: {  	[sflag:s19] =	ssyncadd.s32 $0xFFFFD800  }
0x4c: {  	[spmem:s13] =	stream.linear.scatter [tilespmem:s24], [sflag:$0x3], $0x2800, $0x38;
	[tilespmem:$0x1F000] =	vst v63  }
0x4d: {  	_ =	swait.ge [sflag:s19], $0x2800  }
0x4e: {  	[sflag:s19] =	ssyncset.done $0x0  }
0x4f: {  	[sflag:s19] =	ssyncadd.s32 $0xFFFFD800  }
0x50: {  	[spmem:s14] =	stream.linear.scatter [tilespmem:s24], [sflag:$0x3], $0x2800, $0x38;
	[tilespmem:$0x1F000] =	vst v63  }
0x51: {  	_ =	swait.ge [sflag:s19], $0x2800  }
0x52: {  	[sflag:s19] =	ssyncset.done $0x0  }
0x53: {  	[sflag:s19] =	ssyncadd.s32 $0xFFFFD800  }
0x54: {  	s30 =	simm.s32 $0x50;
	[bflag:$0x0] =	sbarrier.arrive $0xFFFF  }
0x55: {  	[tilespmem:s24], [sflag:$0x2] =	stream.indirect.gather [hbm4b:s0+s21], $0x80, s30, s21, $0xb8;
	[tilespmem:$0x1F000] =	vst v63  }
0x56: {  	s2 =	simm.s32 $0x78  }
0x57: {  	[tilespmem:s25], [sflag:$0x2] =	stream.indirect.gather [hbm4b:s0+s21], $0x80, s2, s21, $0xb8;
	[tilespmem:$0x1F000] =	vst v63  }
0x58: {  	_ =	swait.ge [sflag:s26], $0x1400  }
0x59: {  	[sflag:s26] =	ssyncset.done $0x0  }
0x5a: {  	[sflag:s26] =	ssyncadd.s32 $0xFFFFEC00  }
0x5b: {  	_ =	swait.ge [sflag:s26], $0x1400  }
0x5c: {  	[sflag:s26] =	ssyncset.done $0x0  }
0x5d: {  	s5 =	simm.s32 $0x2780;
	[sflag:s26] =	ssyncadd.s32 $0xFFFFEC00  }
0x5e: {  	[spmem:s3] =	stream.indirect.scatter.add.f32 [tilespmem:s22], [sflag:$0x3], $0x80, s5, s28, $0xb8;
	[tilespmem:$0x1F000] =	vst v63  }
0x5f: {  	_ =	swait.ge [sflag:s19], $0x2800  }
0x60: {  	[sflag:s19] =	ssyncset.done $0x0  }
0x61: {  	s6 =	simm.s32 $0xA0;
	[sflag:s19] =	ssyncadd.s32 $0xFFFFD800  }
0x62: {  	[tilespmem:s22], [sflag:$0x1] =	stream.indirect.gather [hbm4b:s0+s21], $0x80, s6, s21, $0xb8;
	[tilespmem:$0x1F000] =	vst v63  }
0x63: {  	s20 =	simm.s32 $0xC8  }
0x64: {  	[tilespmem:s23], [sflag:$0x1] =	stream.indirect.gather [hbm4b:s0+s21], $0x80, s20, s21, $0xb8;
	[tilespmem:$0x1F000] =	vst v63  }
0x65: {  	_ =	swait.ge [sflag:s29], $0x1400  }
0x66: {  	[sflag:s29] =	ssyncset.done $0x0  }
0x67: {  	[sflag:s29] =	ssyncadd.s32 $0xFFFFEC00  }
0x68: {  	_ =	swait.ge [sflag:s29], $0x1400  }
0x69: {  	[sflag:s29] =	ssyncset.done $0x0  }
0x6a: {  	s30 =	simm.s32 $0x2800;
	[sflag:s29] =	ssyncadd.s32 $0xFFFFEC00  }
0x6b: {  	[spmem:s3] =	stream.indirect.scatter.add.f32 [tilespmem:s24], [sflag:$0x3], $0x80, s30, s28, $0xb8;
	[tilespmem:$0x1F000] =	vst v63  }
0x6c: {  	s1 =	simm.s32 $0x2880;
	_ =	swait.ge [sflag:s19], $0x2800  }
0x6d: {  	s2 =	simm.s32 $0xA0;
	s20 =	simm.s32 $0x500;
	[sflag:s19] =	ssyncset.done $0x0  }
.LBB2_4:
0x6e: {  	s30 =	sadd.s32 $0x50, s2  }
0x6f: {  	[sflag:s19] =	ssyncadd.s32 $0xFFFFD800;
	s5 =	smov.u32 s20;
	s6 =	sadd.s32 $0x280, s20  }
0x70: {  	[tilespmem:s24], [sflag:$0x2] =	stream.indirect.gather [hbm4b:s0+s21], $0x80, s30, s21, $0xb8;
	[tilespmem:$0x1F000] =	vst v63  }
0x71: {  	p1 =	sne.s32 s20, $0x9880;
	s20 =	sadd.s32 $0x78, s2  }
0x72: {  	[tilespmem:s25], [sflag:$0x2] =	stream.indirect.gather [hbm4b:s0+s21], $0x80, s20, s21, $0xb8;
	[tilespmem:$0x1F000] =	vst v63  }
0x73: {  	_ =	swait.ge [sflag:s26], $0x1400  }
0x74: {  	[sflag:s26] =	ssyncset.done $0x0  }
0x75: {  	[sflag:s26] =	ssyncadd.s32 $0xFFFFEC00  }
0x76: {  	_ =	swait.ge [sflag:s26], $0x1400  }
0x77: {  	[sflag:s26] =	ssyncset.done $0x0  }
0x78: {  	[sflag:s26] =	ssyncadd.s32 $0xFFFFEC00  }
0x79: {  	[spmem:s3] =	stream.indirect.scatter.add.f32 [tilespmem:s22], [sflag:$0x3], $0x80, s1, s28, $0xb8;
	[tilespmem:$0x1F000] =	vst v63  }
0x7a: {  	_ =	swait.ge [sflag:s19], $0x2800  }
0x7b: {  	[sflag:s19] =	ssyncset.done $0x0  }
0x7c: {  	s20 =	sadd.s32 $0xA0, s2;
	[sflag:s19] =	ssyncadd.s32 $0xFFFFD800  }
0x7d: {  	[tilespmem:s22], [sflag:$0x1] =	stream.indirect.gather [hbm4b:s0+s21], $0x80, s20, s21, $0xb8;
	[tilespmem:$0x1F000] =	vst v63  }
0x7e: {  	s2 =	sadd.s32 $0xC8, s2  }
0x7f: {  	[tilespmem:s23], [sflag:$0x1] =	stream.indirect.gather [hbm4b:s0+s21], $0x80, s2, s21, $0xb8;
	[tilespmem:$0x1F000] =	vst v63  }
0x80: {  	_ =	swait.ge [sflag:s29], $0x1400  }
0x81: {  	[sflag:s29] =	ssyncset.done $0x0  }
0x82: {  	[sflag:s29] =	ssyncadd.s32 $0xFFFFEC00  }
0x83: {  	_ =	swait.ge [sflag:s29], $0x1400  }
.Ltmp1:
0x84: {  	[sflag:s29] =	ssyncset.done $0x0;
	(pc) =	sbr.rel @p1 .LBB2_4-.Ltmp1, $4  }
0x85: {  	s2 =	sadd.s32 $0x80, s1;
	[sflag:s29] =	ssyncadd.s32 $0xFFFFEC00  }
0x86: {  	[spmem:s3] =	stream.indirect.scatter.add.f32 [tilespmem:s24], [sflag:$0x3], $0x80, s2, s28, $0xb8;
	[tilespmem:$0x1F000] =	vst v63  }
0x87: {  	s20 =	smov.u32 s6;
	_ =	swait.ge [sflag:s19], $0x2800  }
0x88: {  	s1 =	sadd.s32 $0x100, s1;
	s2 =	sshra.s32 s5, $0x2;
	[sflag:s19] =	ssyncset.done $0x0  }
0x89: {  	s5 =	sadd.s32 $0x50, s2;
	[sflag:s19] =	ssyncadd.s32 $0xFFFFD800  }
0x8a: {  	[tilespmem:s24], [sflag:$0x2] =	stream.indirect.gather [hbm4b:s0+s21], $0x80, s5, s21, $0xb8;
	[tilespmem:$0x1F000] =	vst v63  }
0x8b: {  	s20 =	sadd.s32 $0x78, s2  }
0x8c: {  	[tilespmem:s25], [sflag:$0x2] =	stream.indirect.gather [hbm4b:s0+s21], $0x80, s20, s21, $0xb8;
	[tilespmem:$0x1F000] =	vst v63  }
0x8d: {  	_ =	swait.ge [sflag:s26], $0x1400  }
0x8e: {  	[sflag:s26] =	ssyncset.done $0x0  }
0x8f: {  	[sflag:s26] =	ssyncadd.s32 $0xFFFFEC00  }
0x90: {  	_ =	swait.ge [sflag:s26], $0x1400  }
0x91: {  	[sflag:s26] =	ssyncset.done $0x0  }
0x92: {  	[sflag:s26] =	ssyncadd.s32 $0xFFFFEC00  }
0x93: {  	[spmem:s3] =	stream.indirect.scatter.add.f32 [tilespmem:s22], [sflag:$0x3], $0x80, s1, s28, $0xb8;
	[tilespmem:$0x1F000] =	vst v63  }
0x94: {  	_ =	swait.ge [sflag:s19], $0x2800  }
0x95: {  	[sflag:s19] =	ssyncset.done $0x0  }
0x96: {  	s30 =	sadd.s32 $0xA0, s2;
	[sflag:s19] =	ssyncadd.s32 $0xFFFFD800  }
0x97: {  	[tilespmem:s22], [sflag:$0x1] =	stream.indirect.gather [hbm4b:s0+s21], $0x80, s30, s21, $0xb8;
	[tilespmem:$0x1F000] =	vst v63  }
0x98: {  	s6 =	sadd.s32 $0xC8, s2  }
0x99: {  	[tilespmem:s23], [sflag:$0x1] =	stream.indirect.gather [hbm4b:s0+s21], $0x80, s6, s21, $0xb8;
	[tilespmem:$0x1F000] =	vst v63  }
0x9a: {  	_ =	swait.ge [sflag:s29], $0x1400  }
0x9b: {  	[sflag:s29] =	ssyncset.done $0x0  }
0x9c: {  	[sflag:s29] =	ssyncadd.s32 $0xFFFFEC00  }
0x9d: {  	_ =	swait.ge [sflag:s29], $0x1400  }
0x9e: {  	[sflag:s29] =	ssyncset.done $0x0  }
0x9f: {  	s20 =	sadd.s32 $0x80, s1;
	[sflag:s29] =	ssyncadd.s32 $0xFFFFEC00  }
0xa0: {  	[spmem:s3] =	stream.indirect.scatter.add.f32 [tilespmem:s24], [sflag:$0x3], $0x80, s20, s28, $0xb8;
	[tilespmem:$0x1F000] =	vst v63  }
0xa1: {  	_ =	swait.ge [sflag:s19], $0x2800  }
0xa2: {  	[sflag:s19] =	ssyncset.done $0x0  }
0xa3: {  	[sflag:s19] =	ssyncadd.s32 $0xFFFFD800  }
0xa4: {  	_ =	swait.ge [sflag:s26], $0x1400  }
0xa5: {  	[sflag:s26] =	ssyncset.done $0x0  }
0xa6: {  	[sflag:s26] =	ssyncadd.s32 $0xFFFFEC00  }
0xa7: {  	_ =	swait.ge [sflag:s26], $0x1400  }
0xa8: {  	[sflag:s26] =	ssyncset.done $0x0  }
0xa9: {  	s30 =	simm.s32 $0x6580;
	[sflag:s26] =	ssyncadd.s32 $0xFFFFEC00  }
0xaa: {  	[spmem:s3] =	stream.indirect.scatter.add.f32 [tilespmem:s22], [sflag:$0x3], $0x80, s30, s28, $0xb8;
	[tilespmem:$0x1F000] =	vst v63  }
0xab: {  	_ =	swait.ge [sflag:s19], $0x2800  }
0xac: {  	[sflag:s19] =	ssyncset.done $0x0  }
0xad: {  	[sflag:s19] =	ssyncadd.s32 $0xFFFFD800  }
0xae: {  	s2 =	simm.s32 @p0 $0x1FC3;
	s1 =	sshrl.u32 @p0 s15, $0x3;
	[bflag:$0x0] =	sbarrier.arrive $0xFFFF  }
0xaf: {  	[hbm:s17], [sflag:s2] =	dma.local @p0 [spmem:s1], $0x1900  }
0xb0: {  	s1 =	simm.s32 @p0 $0x3  }
0xb1: {  	s31 =	sadd.s32 $0x1, s31;
	s2 =	stileid.u32;
	_ =	swait.ge @p0 [sflag:s1], $0x1900  }
0xb2: {  	p1 =	sne.s32 s31, s18;
	s2 =	sshll.u32 @!p0 s2, $0x6;
	[sflag:s1] =	ssyncset.done @p0 $0x0  }
0xb3: {  	[sflag:s1] =	ssyncadd.s32 @p0 $0xFFFFE700;
	s1 =	sor.u32 @!p0 $0x1C03, s2;
	s2 =	sshrl.u32 @!p0 s7, $0x3  }
0xb4: {  	[hbm:s16], [sflag:s1] =	dma.local @!p0 [spmem:s2], $0x2800  }
.Ltmp2:
0xb5: {  	_ = 	snop;
	(pc) =	sbr.rel @p1 .LBB2_1-.Ltmp2, $4  }
0xb6: {  	s1 =	simm.s32 @!p0 $0x3  }
0xb7: {  	_ =	swait.ge @!p0 [sflag:s1], $0x2800  }
0xb8: {  	[sflag:s1] =	ssyncset.done @!p0 $0x0  }
0xb9: {  	[sflag:s1] =	ssyncadd.s32 @!p0 $0xFFFFD800  }
0xba: {  	_ =	sfence.sel $0x180000  }
0xbb: {  	[bflag:$0x0] =	sbarrier.arrive $0xFFFF  }
0xbc: {  	_ =	strace $0x90000047  }
0xbd: {  	s0 =	stileid.u32;
	[bflag:$0x2] =	sbarrier.arrive $0xFFFF  }
0xbe: {  	p0 =	sne.s32 s0, $0x0;
	s0 =	rddreg [dreg:$0x4]  }
0xbf: {  	s0 =	sadd.s32 @!p0 $0x100000, s0  }
0xc0: {  	[sflag:s0] =	ssyncadd.tile.s32 @!p0 $0x1;
	_ =	shalt  }
.Lfunc_end2:
_tile_overlayer_lowered:
.L_overlay_start_2:
0xc1: {  	(tag) =	ssettag $0x2  }
0xc2: {  	s0 =	rddreg [dreg:$0x0];
	s2 =	stileid.u32  }
0xc3: {  	s1 =	rddreg [dreg:$0x1];
	p0 =	sne.s32 s2, $0x0  }
0xc4: {  	s3 =	rddreg [dreg:$0x2];
	[bflag:$0x3] =	sbarrier.arrive $0xFFFF;
	s2 =	simm.s32 @!p0 $0x1C03  }
0xc5: {  	[timem:s3], [sflag:s2] =	dma.local @!p0 [hbm:s0], s1  }
0xc6: {  	s0 =	simm.s32 @!p0 $0x3  }
0xc7: {  	_ =	swait.ge @!p0 [sflag:s0], s1  }
0xc8: {  	s1 =	ssub.s32 @!p0 $0x0, s1;
	[sflag:s0] =	ssyncset.done @!p0 $0x0  }
0xc9: {  	[sflag:s0] =	ssyncadd.s32 @!p0 s1  }
0xca: {  	[bflag:$0x3] =	sbarrier.arrive $0xFFFF  }
0xcb: {  	_ =	shalt  }

</sc_bundles>
